<compile_context>
chip_gen: v7x
topology: tpu7x:2x2x1
jax: 0.10.2.dev20260603
libtpu: 0.0.44.dev20260713+nightly
codegen_flags: <defaults>
</compile_context>

<pallas_src>
import jax
import jax.numpy as jnp
from jax import lax
from jax.experimental import pallas as pl
from jax.experimental.pallas import tpu as pltpu
from jax.experimental.pallas import tpu_sc as plsc

N_ROWS = 100000
DIM = 128
N_GRAPHS = 512

NC = 2
NS = 16
NW = NC * NS

CHUNK = 128
NCH = (N_ROWS + CHUNK - 1) // CHUNK
TAIL_CHUNK = NCH - 1
TAIL_ROWS = N_ROWS - TAIL_CHUNK * CHUNK
MAX_CH = 25
IDX_PER_W = MAX_CH * CHUNK
TAIL_IDX = N_ROWS - (NW - 1) * IDX_PER_W
NBUF = 6


def _sc_body(x_hbm, b_hbm, out_hbm, idx_raw, idx_v, xbuf, zbuf, acc, gsems, ssems):
    c = lax.axis_index("c")
    s = lax.axis_index("s")
    w = s * NC + c

    start = w * MAX_CH
    count = jnp.clip(NCH - start, 0, MAX_CH)
    n_full = count - (w == NW - 1).astype(jnp.int32)

    def gather_start(j, b):
        pltpu.async_copy(
            x_hbm.at[pl.ds((start + j) * CHUNK, CHUNK)], xbuf.at[b], gsems.at[b]
        )

    def gather_wait(j, b):
        pltpu.make_async_copy(
            x_hbm.at[pl.ds((start + j) * CHUNK, CHUNK)], xbuf.at[b], gsems.at[b]
        ).wait()

    def scatter_start(j, b):
        pltpu.async_copy(xbuf.at[b], acc.at[idx_v.at[j, 0]], ssems.at[b], add=True)

    def scatter_wait(j, b):
        pltpu.make_async_copy(
            xbuf.at[b], acc.at[idx_v.at[j, 0]], ssems.at[b]
        ).wait()

    gather_start(0, 0)
    gather_start(1, 1)
    gather_start(2, 2)

    @pl.when(w == NW - 1)
    def _():
        pltpu.sync_copy(
            b_hbm.at[pl.ds((NW - 1) * IDX_PER_W, TAIL_IDX)],
            idx_raw.at[pl.ds(0, TAIL_IDX)],
        )

    @pl.when(w < NW - 1)
    def _():
        pltpu.sync_copy(b_hbm.at[pl.ds(w * IDX_PER_W, IDX_PER_W)], idx_raw)

    ziv = jnp.zeros((16,), jnp.int32)

    @pl.when(w == NW - 1)
    def _():
        def zidx(t, carry):
            idx_raw[pl.ds(TAIL_IDX + t * 16, 16)] = ziv
            return carry

        lax.fori_loop(0, (IDX_PER_W - TAIL_IDX) // 16, zidx, 0)

    def fixup(j, carry):
        for m in range(CHUNK // 16):
            idx_v[j, 0, pl.ds(m * 16, 16)] = idx_raw[pl.ds(j * CHUNK + m * 16, 16)]
        return carry

    lax.fori_loop(0, MAX_CH, fixup, 0)

    zv = jnp.zeros((16,), jnp.float32)

    def zrow(r, carry):
        for k in range(DIM // 16):
            zbuf[r, pl.ds(k * 16, 16)] = zv
        return carry

    lax.fori_loop(0, 32, zrow, 0)
    pltpu.sync_copy(zbuf, acc.at[pl.ds(s * 32, 32)])
    plsc.subcore_barrier()

    def body(j, carry):
        jn = j + 3

        @pl.when(jn < n_full)
        def _():
            bn = jn % NBUF

            @pl.when(jn >= NBUF)
            def _():
                scatter_wait(jn - NBUF, bn)

            gather_start(jn, bn)

        b = j % NBUF
        gather_wait(j, b)
        scatter_start(j, b)
        return carry

    lax.fori_loop(0, n_full, body, 0)

    def drain(t, carry):
        j = n_full - NBUF + t

        @pl.when(j >= 0)
        def _():
            scatter_wait(j, j % NBUF)

        return carry

    lax.fori_loop(0, NBUF, drain, 0)

    @pl.when(w == NW - 1)
    def _():
        pltpu.sync_copy(
            x_hbm.at[pl.ds(TAIL_CHUNK * CHUNK, TAIL_ROWS)],
            xbuf.at[0, pl.ds(0, TAIL_ROWS)],
        )

        def zpad(r, carry):
            for k in range(DIM // 16):
                xbuf[0, r, pl.ds(k * 16, 16)] = zv
            return carry

        lax.fori_loop(TAIL_ROWS, CHUNK, zpad, 0)
        pltpu.sync_copy(xbuf.at[0], acc.at[idx_v.at[count - 1, 0]], add=True)

    plsc.subcore_barrier()

    pltpu.sync_copy(
        acc.at[pl.ds(s * 32, 32)], out_hbm.at[c, pl.ds(s * 32, 32)]
    )


@jax.jit
def _segment_sum_sc(x, batch_i32):
    mesh = plsc.VectorSubcoreMesh(
        core_axis_name="c", subcore_axis_name="s", num_cores=NC, num_subcores=NS
    )
    return pl.kernel(
        _sc_body,
        out_type=jax.ShapeDtypeStruct((NC, N_GRAPHS, DIM), jnp.float32),
        mesh=mesh,
        scratch_types=[
            pltpu.VMEM((IDX_PER_W,), jnp.int32),
            pltpu.VMEM((MAX_CH, 1, CHUNK), jnp.int32),
            pltpu.VMEM((NBUF, CHUNK, DIM), jnp.float32),
            pltpu.VMEM((32, DIM), jnp.float32),
            pltpu.VMEM_SHARED((N_GRAPHS, DIM), jnp.float32),
            pltpu.SemaphoreType.DMA((NBUF,)),
            pltpu.SemaphoreType.DMA((NBUF,)),
        ],
    )(x, batch_i32)


def _mlp_body(p_ref, w0_ref, b0_ref, w1_ref, b1_ref, w2_ref, b2_ref, o_ref):
    p = p_ref[0] + p_ref[1]
    h0 = jnp.maximum(
        jnp.dot(p, w0_ref[...], preferred_element_type=jnp.float32) + b0_ref[...],
        0.0,
    )
    h1 = jnp.maximum(
        jnp.dot(h0, w1_ref[...], preferred_element_type=jnp.float32) + b1_ref[...],
        0.0,
    )
    o_ref[...] = (
        jnp.sum(h1 * w2_ref[...], axis=1, keepdims=True) + b2_ref[...]
    )


@jax.jit
def _mlp_tc(partials, W0, b0, W1, b1, W2, b2):
    return pl.pallas_call(
        _mlp_body,
        out_shape=jax.ShapeDtypeStruct((N_GRAPHS, 1), jnp.float32),
    )(
        partials,
        W0.T,
        b0.reshape(1, -1),
        W1.T,
        b1.reshape(1, -1),
        W2,
        b2.reshape(1, 1),
    )


def kernel(x, batch, y, W0, b0, W1, b1, W2, b2):
    partials = _segment_sum_sc(x, batch.astype(jnp.int32))
    pred = _mlp_tc(partials, W0, b0, W1, b1, W2, b2)
    return (pred, y)

# --- scband reference (transcript-rebuilt; emitter-appended) ---
"""Pipeline reference for scband-sangraph-head-39539468927443 (READ-ONLY COPY).

The authoritative reference and input builder live on the scoring server;
editing this copy changes nothing except your own understanding.
"""

import jax, jax.numpy as jnp
import numpy as np

NUM_GRAPHS = 512
DIM_IN = 128
DIM_OUT = 1
L = 2


def setup_inputs(seed: int = 0) -> dict:
    key = jax.random.key(seed)
    ks = jax.random.split(key, 10)
    x = jax.random.normal(ks[0], (100000, DIM_IN), dtype=jnp.float32)
    batch = jnp.sort(jax.random.randint(ks[1], (100000,), 0, NUM_GRAPHS, dtype=jnp.int64))
    y = jax.random.normal(ks[2], (NUM_GRAPHS, DIM_OUT), dtype=jnp.float32)
    # FC layers: dim_in // 2**l -> dim_in // 2**(l+1) for l in range(L), then -> dim_out
    dims = [DIM_IN // (2 ** l) for l in range(L + 1)] + [DIM_OUT]
    # dims = [128, 64, 32, 1]; layer l: dims[l] -> dims[l+1]
    W0 = jax.random.normal(ks[3], (dims[1], dims[0]), dtype=jnp.float32) * (1.0 / np.sqrt(dims[0]))
    b0 = jnp.zeros((dims[1],), dtype=jnp.float32)
    W1 = jax.random.normal(ks[4], (dims[2], dims[1]), dtype=jnp.float32) * (1.0 / np.sqrt(dims[1]))
    b1 = jnp.zeros((dims[2],), dtype=jnp.float32)
    W2 = jax.random.normal(ks[5], (dims[3], dims[2]), dtype=jnp.float32) * (1.0 / np.sqrt(dims[2]))
    b2 = jnp.zeros((dims[3],), dtype=jnp.float32)
    return {"x": x, "batch": batch, "y": y, "W0": W0, "b0": b0, "W1": W1, "b1": b1, "W2": W2, "b2": b2}


def reference(x, batch, y, W0, b0, W1, b1, W2, b2):
    # GraphAddPooling: scatter-add node features into per-graph embeddings
    graph_emb = jax.ops.segment_sum(x, batch, num_segments=NUM_GRAPHS)
    # hidden FC layers with ReLU
    graph_emb = jnp.maximum(graph_emb @ W0.T + b0, 0.0)
    graph_emb = jnp.maximum(graph_emb @ W1.T + b1, 0.0)
    # final FC layer (no activation)
    pred = graph_emb @ W2.T + b2
    label = y
    return (pred, label)

if __name__ == "__main__":
    import jax
    _d = setup_inputs()
    print(jax.jit(kernel)(*tuple(_d.values())))

</pallas_src>

<mosaic_0001>
#map = affine_map<(d0, d1) -> (0, 0)>
#map1 = affine_map<(d0, d1) -> (0)>
#map2 = affine_map<(d0, d1) -> (0, 0, 0)>
module attributes {stable_mosaic.version = 14 : i64} {
  func.func @_sc_body(%arg0: i32, %arg1: i32, %arg2: memref<100000x128xf32, #tpu.memory_space<hbm>>, %arg3: memref<100000xi32, #tpu.memory_space<hbm>>, %arg4: memref<2x512x128xf32, #tpu.memory_space<hbm>>, %arg5: memref<3200xi32, #tpu.memory_space<vmem>>, %arg6: memref<25x1x128xi32, #tpu.memory_space<vmem>>, %arg7: memref<6x128x128xf32, #tpu.memory_space<vmem>>, %arg8: memref<32x128xf32, #tpu.memory_space<vmem>>, %arg9: memref<512x128xf32, #tpu.memory_space<vmem_shared>>, %arg10: memref<6x!tpu.dma_semaphore, #tpu.memory_space<semaphore_mem>>, %arg11: memref<6x!tpu.dma_semaphore, #tpu.memory_space<semaphore_mem>>) attributes {dimension_semantics = [#tpu.dimension_semantics<core_parallel>, #tpu.dimension_semantics<subcore_parallel>], iteration_bounds = array<i64: 2, 16>, scalar_prefetch = 0 : i64, scratch_operands = 7 : i64, tpu.core_type = #tpu.core_type<sc_vector_subcore>, window_params = [{transform_indices = #map}, {transform_indices = #map1}, {transform_indices = #map2}]} {
    %mul3A = arith.constant 2 : i32
    %mul3A_0 = arith.muli %arg1, %mul3A : i32
    %add3A = arith.addi %mul3A_0, %arg0 : i32
    %mul3A_1 = arith.constant 25 : i32
    %mul3A_2 = arith.muli %add3A, %mul3A_1 : i32
    %sub3A = arith.constant 782 : i32
    %sub3A_3 = arith.subi %sub3A, %mul3A_2 : i32
    %jit3A = arith.constant 0 : i32
    %jit3A_4 = arith.constant 25 : i32
    %max3A = arith.maxsi %jit3A, %sub3A_3 : i32
    %min3A = arith.minsi %jit3A_4, %max3A : i32
    %eq3A = arith.constant 31 : i32
    %eq3A_5 = arith.cmpi eq, %add3A, %eq3A : i32
    %convert_element_type3A = arith.extui %eq3A_5 : i1 to i32
    %sub3A_6 = arith.subi %min3A, %convert_element_type3A : i32
    %add3A_7 = arith.constant 0 : i32
    %add3A_8 = arith.addi %mul3A_2, %add3A_7 : i32
    %mul3A_9 = arith.constant 128 : i32
    %mul3A_10 = arith.muli %add3A_8, %mul3A_9 : i32
    %dma_start3A = arith.constant 0 : i32
    %dma_start3A_11 = arith.constant 0 : i32
    %dma_start3A_12 = arith.constant 0 : i32
    %dma_start3A_13 = arith.constant 0 : i32
    %dma_start3A_14 = tpu.memref_slice %arg7[%dma_start3A, %dma_start3A_12, %dma_start3A_13] : memref<6x128x128xf32, #tpu.memory_space<vmem>> -> memref<1x128x128xf32, #tpu.memory_space<vmem>>
    %dma_start3A_15 = tpu.memref_squeeze %dma_start3A_14 : memref<1x128x128xf32, #tpu.memory_space<vmem>> -> memref<128x128xf32, #tpu.memory_space<vmem>>
    %dma_start3A_16 = arith.constant 0 : i32
    %dma_start3A_17 = tpu.memref_slice %arg2[%mul3A_10, %dma_start3A_16] : memref<100000x128xf32, #tpu.memory_space<hbm>> -> memref<128x128xf32, #tpu.memory_space<hbm>>
    %dma_start3A_18 = tpu.memref_slice %arg10[%dma_start3A_11] : memref<6x!tpu.dma_semaphore, #tpu.memory_space<semaphore_mem>> -> memref<1x!tpu.dma_semaphore, #tpu.memory_space<semaphore_mem>>
    %dma_start3A_19 = tpu.memref_squeeze %dma_start3A_18 : memref<1x!tpu.dma_semaphore, #tpu.memory_space<semaphore_mem>> -> memref<!tpu.dma_semaphore, #tpu.memory_space<semaphore_mem>>
    %dma_start3A_20 = arith.constant 0 : i32
    %dma_start3A_21 = arith.constant 0 : i32
    %dma_start3A_22 = tpu.memref_slice %arg7[%dma_start3A, %dma_start3A_20, %dma_start3A_21] : memref<6x128x128xf32, #tpu.memory_space<vmem>> -> memref<1x128x128xf32, #tpu.memory_space<vmem>>
    %dma_start3A_23 = tpu.memref_squeeze %dma_start3A_22 : memref<1x128x128xf32, #tpu.memory_space<vmem>> -> memref<128x128xf32, #tpu.memory_space<vmem>>
    %dma_start3A_24 = arith.constant 0 : i32
    %dma_start3A_25 = tpu.memref_slice %arg2[%mul3A_10, %dma_start3A_24] : memref<100000x128xf32, #tpu.memory_space<hbm>> -> memref<128x128xf32, #tpu.memory_space<hbm>>
    tpu.enqueue_dma source(%dma_start3A_25 : memref<128x128xf32, #tpu.memory_space<hbm>>) target(%dma_start3A_23 : memref<128x128xf32, #tpu.memory_space<vmem>>) target_semaphore(%dma_start3A_19 : memref<!tpu.dma_semaphore, #tpu.memory_space<semaphore_mem>>)
    %add3A_26 = arith.constant 1 : i32
    %add3A_27 = arith.addi %mul3A_2, %add3A_26 : i32
    %mul3A_28 = arith.constant 128 : i32
    %mul3A_29 = arith.muli %add3A_27, %mul3A_28 : i32
    %dma_start3A_30 = arith.constant 1 : i32
    %dma_start3A_31 = arith.constant 1 : i32
    %dma_start3A_32 = arith.constant 0 : i32
    %dma_start3A_33 = arith.constant 0 : i32
    %dma_start3A_34 = tpu.memref_slice %arg7[%dma_start3A_30, %dma_start3A_32, %dma_start3A_33] : memref<6x128x128xf32, #tpu.memory_space<vmem>> -> memref<1x128x128xf32, #tpu.memory_space<vmem>>
    %dma_start3A_35 = tpu.memref_squeeze %dma_start3A_34 : memref<1x128x128xf32, #tpu.memory_space<vmem>> -> memref<128x128xf32, #tpu.memory_space<vmem>>
    %dma_start3A_36 = arith.constant 0 : i32
    %dma_start3A_37 = tpu.memref_slice %arg2[%mul3A_29, %dma_start3A_36] : memref<100000x128xf32, #tpu.memory_space<hbm>> -> memref<128x128xf32, #tpu.memory_space<hbm>>
    %dma_start3A_38 = tpu.memref_slice %arg10[%dma_start3A_31] : memref<6x!tpu.dma_semaphore, #tpu.memory_space<semaphore_mem>> -> memref<1x!tpu.dma_semaphore, #tpu.memory_space<semaphore_mem>>
    %dma_start3A_39 = tpu.memref_squeeze %dma_start3A_38 : memref<1x!tpu.dma_semaphore, #tpu.memory_space<semaphore_mem>> -> memref<!tpu.dma_semaphore, #tpu.memory_space<semaphore_mem>>
    %dma_start3A_40 = arith.constant 0 : i32
    %dma_start3A_41 = arith.constant 0 : i32
    %dma_start3A_42 = tpu.memref_slice %arg7[%dma_start3A_30, %dma_start3A_40, %dma_start3A_41] : memref<6x128x128xf32, #tpu.memory_space<vmem>> -> memref<1x128x128xf32, #tpu.memory_space<vmem>>
    %dma_start3A_43 = tpu.memref_squeeze %dma_start3A_42 : memref<1x128x128xf32, #tpu.memory_space<vmem>> -> memref<128x128xf32, #tpu.memory_space<vmem>>
    %dma_start3A_44 = arith.constant 0 : i32
    %dma_start3A_45 = tpu.memref_slice %arg2[%mul3A_29, %dma_start3A_44] : memref<100000x128xf32, #tpu.memory_space<hbm>> -> memref<128x128xf32, #tpu.memory_space<hbm>>
    tpu.enqueue_dma source(%dma_start3A_45 : memref<128x128xf32, #tpu.memory_space<hbm>>) target(%dma_start3A_43 : memref<128x128xf32, #tpu.memory_space<vmem>>) target_semaphore(%dma_start3A_39 : memref<!tpu.dma_semaphore, #tpu.memory_space<semaphore_mem>>)
    %add3A_46 = arith.constant 2 : i32
    %add3A_47 = arith.addi %mul3A_2, %add3A_46 : i32
    %mul3A_48 = arith.constant 128 : i32
    %mul3A_49 = arith.muli %add3A_47, %mul3A_48 : i32
    %dma_start3A_50 = arith.constant 2 : i32
    %dma_start3A_51 = arith.constant 2 : i32
    %dma_start3A_52 = arith.constant 0 : i32
    %dma_start3A_53 = arith.constant 0 : i32
    %dma_start3A_54 = tpu.memref_slice %arg7[%dma_start3A_50, %dma_start3A_52, %dma_start3A_53] : memref<6x128x128xf32, #tpu.memory_space<vmem>> -> memref<1x128x128xf32, #tpu.memory_space<vmem>>
    %dma_start3A_55 = tpu.memref_squeeze %dma_start3A_54 : memref<1x128x128xf32, #tpu.memory_space<vmem>> -> memref<128x128xf32, #tpu.memory_space<vmem>>
    %dma_start3A_56 = arith.constant 0 : i32
    %dma_start3A_57 = tpu.memref_slice %arg2[%mul3A_49, %dma_start3A_56] : memref<100000x128xf32, #tpu.memory_space<hbm>> -> memref<128x128xf32, #tpu.memory_space<hbm>>
    %dma_start3A_58 = tpu.memref_slice %arg10[%dma_start3A_51] : memref<6x!tpu.dma_semaphore, #tpu.memory_space<semaphore_mem>> -> memref<1x!tpu.dma_semaphore, #tpu.memory_space<semaphore_mem>>
    %dma_start3A_59 = tpu.memref_squeeze %dma_start3A_58 : memref<1x!tpu.dma_semaphore, #tpu.memory_space<semaphore_mem>> -> memref<!tpu.dma_semaphore, #tpu.memory_space<semaphore_mem>>
    %dma_start3A_60 = arith.constant 0 : i32
    %dma_start3A_61 = arith.constant 0 : i32
    %dma_start3A_62 = tpu.memref_slice %arg7[%dma_start3A_50, %dma_start3A_60, %dma_start3A_61] : memref<6x128x128xf32, #tpu.memory_space<vmem>> -> memref<1x128x128xf32, #tpu.memory_space<vmem>>
    %dma_start3A_63 = tpu.memref_squeeze %dma_start3A_62 : memref<1x128x128xf32, #tpu.memory_space<vmem>> -> memref<128x128xf32, #tpu.memory_space<vmem>>
    %dma_start3A_64 = arith.constant 0 : i32
    %dma_start3A_65 = tpu.memref_slice %arg2[%mul3A_49, %dma_start3A_64] : memref<100000x128xf32, #tpu.memory_space<hbm>> -> memref<128x128xf32, #tpu.memory_space<hbm>>
    tpu.enqueue_dma source(%dma_start3A_65 : memref<128x128xf32, #tpu.memory_space<hbm>>) target(%dma_start3A_63 : memref<128x128xf32, #tpu.memory_space<vmem>>) target_semaphore(%dma_start3A_59 : memref<!tpu.dma_semaphore, #tpu.memory_space<semaphore_mem>>)
    %eq3A_66 = arith.constant 31 : i32
    %eq3A_67 = arith.cmpi eq, %add3A, %eq3A_66 : i32
    %convert_element_type3A_68 = arith.extui %eq3A_67 : i1 to i32
    %cond3A = arith.constant 0 : i32
    %cond3A_69 = arith.cmpi ne, %convert_element_type3A_68, %cond3A : i32
    scf.if %cond3A_69 {
      "tpu.region"() ({
        %run_scoped3A = tpu.sem_alloc : memref<!tpu.dma_semaphore, #tpu.memory_space<semaphore_mem>>
        %dma_start3A_120 = arith.constant 0 : i32
        %dma_start3A_121 = tpu.memref_slice %arg5[%dma_start3A_120] : memref<3200xi32, #tpu.memory_space<vmem>> -> memref<800xi32, #tpu.memory_space<vmem>>
        %dma_start3A_122 = arith.constant 99200 : i32
        %dma_start3A_123 = tpu.memref_slice %arg3[%dma_start3A_122] : memref<100000xi32, #tpu.memory_space<hbm>> -> memref<800xi32, #tpu.memory_space<hbm>>
        %dma_start3A_124 = arith.constant 0 : i32
        %dma_start3A_125 = tpu.memref_slice %arg5[%dma_start3A_124] : memref<3200xi32, #tpu.memory_space<vmem>> -> memref<800xi32, #tpu.memory_space<vmem>>
        %dma_start3A_126 = arith.constant 99200 : i32
        %dma_start3A_127 = tpu.memref_slice %arg3[%dma_start3A_126] : memref<100000xi32, #tpu.memory_space<hbm>> -> memref<800xi32, #tpu.memory_space<hbm>>
        tpu.enqueue_dma source(%dma_start3A_127 : memref<800xi32, #tpu.memory_space<hbm>>) target(%dma_start3A_125 : memref<800xi32, #tpu.memory_space<vmem>>) target_semaphore(%run_scoped3A : memref<!tpu.dma_semaphore, #tpu.memory_space<semaphore_mem>>)
        %dma_wait3A = arith.constant 0 : i32
        %dma_wait3A_128 = tpu.memref_slice %arg5[%dma_wait3A] : memref<3200xi32, #tpu.memory_space<vmem>> -> memref<800xi32, #tpu.memory_space<vmem>>
        %dma_wait3A_129 = arith.constant 99200 : i32
        %dma_wait3A_130 = tpu.memref_slice %arg3[%dma_wait3A_129] : memref<100000xi32, #tpu.memory_space<hbm>> -> memref<800xi32, #tpu.memory_space<hbm>>
        %dma_wait3A_131 = arith.constant 0 : i32
        %dma_wait3A_132 = tpu.memref_slice %arg5[%dma_wait3A_131] : memref<3200xi32, #tpu.memory_space<vmem>> -> memref<800xi32, #tpu.memory_space<vmem>>
        %dma_wait3A_133 = arith.constant 99200 : i32
        %dma_wait3A_134 = tpu.memref_slice %arg3[%dma_wait3A_133] : memref<100000xi32, #tpu.memory_space<hbm>> -> memref<800xi32, #tpu.memory_space<hbm>>
        tpu.wait_dma2 semaphore(%run_scoped3A : memref<!tpu.dma_semaphore, #tpu.memory_space<semaphore_mem>>) src(%dma_wait3A_134 : memref<800xi32, #tpu.memory_space<hbm>>) dst(%dma_wait3A_132 : memref<800xi32, #tpu.memory_space<vmem>>)
        tpu.yield
      }) : () -> ()
    } else {
    }
    %lt3A = arith.constant 31 : i32
    %lt3A_70 = arith.cmpi slt, %add3A, %lt3A : i32
    %convert_element_type3A_71 = arith.extui %lt3A_70 : i1 to i32
    %cond3A_72 = arith.constant 0 : i32
    %cond3A_73 = arith.cmpi ne, %convert_element_type3A_71, %cond3A_72 : i32
    scf.if %cond3A_73 {
      %mul3A_120 = arith.constant 3200 : i32
      %mul3A_121 = arith.muli %add3A, %mul3A_120 : i32
      "tpu.region"() ({
        %run_scoped3A = tpu.sem_alloc : memref<!tpu.dma_semaphore, #tpu.memory_space<semaphore_mem>>
        %dma_start3A_122 = tpu.memref_slice %arg3[%mul3A_121] : memref<100000xi32, #tpu.memory_space<hbm>> -> memref<3200xi32, #tpu.memory_space<hbm>>
        %dma_start3A_123 = tpu.memref_slice %arg3[%mul3A_121] : memref<100000xi32, #tpu.memory_space<hbm>> -> memref<3200xi32, #tpu.memory_space<hbm>>
        tpu.enqueue_dma source(%dma_start3A_123 : memref<3200xi32, #tpu.memory_space<hbm>>) target(%arg5 : memref<3200xi32, #tpu.memory_space<vmem>>) target_semaphore(%run_scoped3A : memref<!tpu.dma_semaphore, #tpu.memory_space<semaphore_mem>>)
        %dma_wait3A = tpu.memref_slice %arg3[%mul3A_121] : memref<100000xi32, #tpu.memory_space<hbm>> -> memref<3200xi32, #tpu.memory_space<hbm>>
        %dma_wait3A_124 = tpu.memref_slice %arg3[%mul3A_121] : memref<100000xi32, #tpu.memory_space<hbm>> -> memref<3200xi32, #tpu.memory_space<hbm>>
        tpu.wait_dma2 semaphore(%run_scoped3A : memref<!tpu.dma_semaphore, #tpu.memory_space<semaphore_mem>>) src(%dma_wait3A_124 : memref<3200xi32, #tpu.memory_space<hbm>>) dst(%arg5 : memref<3200xi32, #tpu.memory_space<vmem>>)
        tpu.yield
      }) : () -> ()
    } else {
    }
    %broadcast_in_dim3A = arith.constant 0 : i32
    %broadcast_in_dim3A_74 = vector.broadcast %broadcast_in_dim3A : i32 to vector<16xi32>
    %eq3A_75 = arith.constant 31 : i32
    %eq3A_76 = arith.cmpi eq, %add3A, %eq3A_75 : i32
    %convert_element_type3A_77 = arith.extui %eq3A_76 : i1 to i32
    %cond3A_78 = arith.constant 0 : i32
    %cond3A_79 = arith.cmpi ne, %convert_element_type3A_77, %cond3A_78 : i32
    scf.if %cond3A_79 {
      %scan3A_120 = arith.constant 0 : i32
      %scan3A_121 = arith.constant 0 : i32
      %scan3A_122 = arith.constant 150 : i32
      %scan3A_123 = arith.addi %scan3A_121, %scan3A_122 : i32
      %scan3A_124 = arith.constant 1 : i32
      scf.for %scan3A_126 = %scan3A_121 to %scan3A_123 step %scan3A_124  : i32 {
        %mul3A_127 = arith.constant 16 : i32
        %mul3A_128 = arith.muli %scan3A_126, %mul3A_127 : i32
        %add3A_129 = arith.constant 800 : i32
        %add3A_130 = arith.addi %add3A_129, %mul3A_128 : i32
        %swap3A = arith.index_cast %add3A_130 : i32 to index
        %swap3A_131 = tpu.vector_load %arg5[%swap3A] {strides = array<i32>} : memref<3200xi32, #tpu.memory_space<vmem>>, vector<16xi32>,
        %swap3A_132 = vector.shape_cast %swap3A_131 : vector<16xi32> to vector<16xi32>
        %swap3A_133 = vector.shape_cast %broadcast_in_dim3A_74 : vector<16xi32> to vector<16xi32>
        tpu.vector_store %arg5[%swap3A], %swap3A_133 {strides = array<i32>} : memref<3200xi32, #tpu.memory_space<vmem>>, vector<16xi32>,
      }
      %scan3A_125 = arith.constant 150 : i32
    } else {
    }
    %scan3A = arith.constant 0 : i32
    %scan3A_80 = arith.constant 0 : i32
    %scan3A_81 = arith.constant 25 : i32
    %scan3A_82 = arith.addi %scan3A_80, %scan3A_81 : i32
    %scan3A_83 = arith.constant 1 : i32
    scf.for %scan3A_120 = %scan3A_80 to %scan3A_82 step %scan3A_83  : i32 {
      %mul3A_121 = arith.constant 128 : i32
      %mul3A_122 = arith.muli %scan3A_120, %mul3A_121 : i32
      %add3A_123 = arith.constant 0 : i32
      %add3A_124 = arith.addi %mul3A_122, %add3A_123 : i32
      %get3A = arith.index_cast %add3A_124 : i32 to index
      %get3A_125 = tpu.vector_load %arg5[%get3A] {strides = array<i32>} : memref<3200xi32, #tpu.memory_space<vmem>>, vector<16xi32>,
      %get3A_126 = vector.shape_cast %get3A_125 : vector<16xi32> to vector<16xi32>
      %swap3A = arith.constant 0 : i32
      %swap3A_127 = arith.index_cast %scan3A_120 : i32 to index
      %swap3A_128 = arith.index_cast %swap3A : i32 to index
      %swap3A_129 = arith.constant 0 : index
      %swap3A_130 = tpu.vector_load %arg6[%swap3A_127, %swap3A_128, %swap3A_129] {strides = array<i32>} : memref<25x1x128xi32, #tpu.memory_space<vmem>>, vector<1x1x16xi32>,
      %swap3A_131 = vector.shape_cast %swap3A_130 : vector<1x1x16xi32> to vector<16xi32>
      %swap3A_132 = vector.shape_cast %get3A_126 : vector<16xi32> to vector<1x1x16xi32>
      tpu.vector_store %arg6[%swap3A_127, %swap3A_128, %swap3A_129], %swap3A_132 {strides = array<i32>} : memref<25x1x128xi32, #tpu.memory_space<vmem>>, vector<1x1x16xi32>,
      %mul3A_133 = arith.constant 128 : i32
      %mul3A_134 = arith.muli %scan3A_120, %mul3A_133 : i32
      %add3A_135 = arith.constant 16 : i32
      %add3A_136 = arith.addi %mul3A_134, %add3A_135 : i32
      %get3A_137 = arith.index_cast %add3A_136 : i32 to index
      %get3A_138 = tpu.vector_load %arg5[%get3A_137] {strides = array<i32>} : memref<3200xi32, #tpu.memory_space<vmem>>, vector<16xi32>,
      %get3A_139 = vector.shape_cast %get3A_138 : vector<16xi32> to vector<16xi32>
      %swap3A_140 = arith.constant 0 : i32
      %swap3A_141 = arith.index_cast %scan3A_120 : i32 to index
      %swap3A_142 = arith.index_cast %swap3A_140 : i32 to index
      %swap3A_143 = arith.constant 16 : index
      %swap3A_144 = tpu.vector_load %arg6[%swap3A_141, %swap3A_142, %swap3A_143] {strides = array<i32>} : memref<25x1x128xi32, #tpu.memory_space<vmem>>, vector<1x1x16xi32>,
      %swap3A_145 = vector.shape_cast %swap3A_144 : vector<1x1x16xi32> to vector<16xi32>
      %swap3A_146 = vector.shape_cast %get3A_139 : vector<16xi32> to vector<1x1x16xi32>
      tpu.vector_store %arg6[%swap3A_141, %swap3A_142, %swap3A_143], %swap3A_146 {strides = array<i32>} : memref<25x1x128xi32, #tpu.memory_space<vmem>>, vector<1x1x16xi32>,
      %mul3A_147 = arith.constant 128 : i32
      %mul3A_148 = arith.muli %scan3A_120, %mul3A_147 : i32
      %add3A_149 = arith.constant 32 : i32
      %add3A_150 = arith.addi %mul3A_148, %add3A_149 : i32
      %get3A_151 = arith.index_cast %add3A_150 : i32 to index
      %get3A_152 = tpu.vector_load %arg5[%get3A_151] {strides = array<i32>} : memref<3200xi32, #tpu.memory_space<vmem>>, vector<16xi32>,
      %get3A_153 = vector.shape_cast %get3A_152 : vector<16xi32> to vector<16xi32>
      %swap3A_154 = arith.constant 0 : i32
      %swap3A_155 = arith.index_cast %scan3A_120 : i32 to index
      %swap3A_156 = arith.index_cast %swap3A_154 : i32 to index
      %swap3A_157 = arith.constant 32 : index
      %swap3A_158 = tpu.vector_load %arg6[%swap3A_155, %swap3A_156, %swap3A_157] {strides = array<i32>} : memref<25x1x128xi32, #tpu.memory_space<vmem>>, vector<1x1x16xi32>,
      %swap3A_159 = vector.shape_cast %swap3A_158 : vector<1x1x16xi32> to vector<16xi32>
      %swap3A_160 = vector.shape_cast %get3A_153 : vector<16xi32> to vector<1x1x16xi32>
      tpu.vector_store %arg6[%swap3A_155, %swap3A_156, %swap3A_157], %swap3A_160 {strides = array<i32>} : memref<25x1x128xi32, #tpu.memory_space<vmem>>, vector<1x1x16xi32>,
      %mul3A_161 = arith.constant 128 : i32
      %mul3A_162 = arith.muli %scan3A_120, %mul3A_161 : i32
      %add3A_163 = arith.constant 48 : i32
      %add3A_164 = arith.addi %mul3A_162, %add3A_163 : i32
      %get3A_165 = arith.index_cast %add3A_164 : i32 to index
      %get3A_166 = tpu.vector_load %arg5[%get3A_165] {strides = array<i32>} : memref<3200xi32, #tpu.memory_space<vmem>>, vector<16xi32>,
      %get3A_167 = vector.shape_cast %get3A_166 : vector<16xi32> to vector<16xi32>
      %swap3A_168 = arith.constant 0 : i32
      %swap3A_169 = arith.index_cast %scan3A_120 : i32 to index
      %swap3A_170 = arith.index_cast %swap3A_168 : i32 to index
      %swap3A_171 = arith.constant 48 : index
      %swap3A_172 = tpu.vector_load %arg6[%swap3A_169, %swap3A_170, %swap3A_171] {strides = array<i32>} : memref<25x1x128xi32, #tpu.memory_space<vmem>>, vector<1x1x16xi32>,
      %swap3A_173 = vector.shape_cast %swap3A_172 : vector<1x1x16xi32> to vector<16xi32>
      %swap3A_174 = vector.shape_cast %get3A_167 : vector<16xi32> to vector<1x1x16xi32>
      tpu.vector_store %arg6[%swap3A_169, %swap3A_170, %swap3A_171], %swap3A_174 {strides = array<i32>} : memref<25x1x128xi32, #tpu.memory_space<vmem>>, vector<1x1x16xi32>,
      %mul3A_175 = arith.constant 128 : i32
      %mul3A_176 = arith.muli %scan3A_120, %mul3A_175 : i32
      %add3A_177 = arith.constant 64 : i32
      %add3A_178 = arith.addi %mul3A_176, %add3A_177 : i32
      %get3A_179 = arith.index_cast %add3A_178 : i32 to index
      %get3A_180 = tpu.vector_load %arg5[%get3A_179] {strides = array<i32>} : memref<3200xi32, #tpu.memory_space<vmem>>, vector<16xi32>,
      %get3A_181 = vector.shape_cast %get3A_180 : vector<16xi32> to vector<16xi32>
      %swap3A_182 = arith.constant 0 : i32
      %swap3A_183 = arith.index_cast %scan3A_120 : i32 to index
      %swap3A_184 = arith.index_cast %swap3A_182 : i32 to index
      %swap3A_185 = arith.constant 64 : index
      %swap3A_186 = tpu.vector_load %arg6[%swap3A_183, %swap3A_184, %swap3A_185] {strides = array<i32>} : memref<25x1x128xi32, #tpu.memory_space<vmem>>, vector<1x1x16xi32>,
      %swap3A_187 = vector.shape_cast %swap3A_186 : vector<1x1x16xi32> to vector<16xi32>
      %swap3A_188 = vector.shape_cast %get3A_181 : vector<16xi32> to vector<1x1x16xi32>
      tpu.vector_store %arg6[%swap3A_183, %swap3A_184, %swap3A_185], %swap3A_188 {strides = array<i32>} : memref<25x1x128xi32, #tpu.memory_space<vmem>>, vector<1x1x16xi32>,
      %mul3A_189 = arith.constant 128 : i32
      %mul3A_190 = arith.muli %scan3A_120, %mul3A_189 : i32
      %add3A_191 = arith.constant 80 : i32
      %add3A_192 = arith.addi %mul3A_190, %add3A_191 : i32
      %get3A_193 = arith.index_cast %add3A_192 : i32 to index
      %get3A_194 = tpu.vector_load %arg5[%get3A_193] {strides = array<i32>} : memref<3200xi32, #tpu.memory_space<vmem>>, vector<16xi32>,
      %get3A_195 = vector.shape_cast %get3A_194 : vector<16xi32> to vector<16xi32>
      %swap3A_196 = arith.constant 0 : i32
      %swap3A_197 = arith.index_cast %scan3A_120 : i32 to index
      %swap3A_198 = arith.index_cast %swap3A_196 : i32 to index
      %swap3A_199 = arith.constant 80 : index
      %swap3A_200 = tpu.vector_load %arg6[%swap3A_197, %swap3A_198, %swap3A_199] {strides = array<i32>} : memref<25x1x128xi32, #tpu.memory_space<vmem>>, vector<1x1x16xi32>,
      %swap3A_201 = vector.shape_cast %swap3A_200 : vector<1x1x16xi32> to vector<16xi32>
      %swap3A_202 = vector.shape_cast %get3A_195 : vector<16xi32> to vector<1x1x16xi32>
      tpu.vector_store %arg6[%swap3A_197, %swap3A_198, %swap3A_199], %swap3A_202 {strides = array<i32>} : memref<25x1x128xi32, #tpu.memory_space<vmem>>, vector<1x1x16xi32>,
      %mul3A_203 = arith.constant 128 : i32
      %mul3A_204 = arith.muli %scan3A_120, %mul3A_203 : i32
      %add3A_205 = arith.constant 96 : i32
      %add3A_206 = arith.addi %mul3A_204, %add3A_205 : i32
      %get3A_207 = arith.index_cast %add3A_206 : i32 to index
      %get3A_208 = tpu.vector_load %arg5[%get3A_207] {strides = array<i32>} : memref<3200xi32, #tpu.memory_space<vmem>>, vector<16xi32>,
      %get3A_209 = vector.shape_cast %get3A_208 : vector<16xi32> to vector<16xi32>
      %swap3A_210 = arith.constant 0 : i32
      %swap3A_211 = arith.index_cast %scan3A_120 : i32 to index
      %swap3A_212 = arith.index_cast %swap3A_210 : i32 to index
      %swap3A_213 = arith.constant 96 : index
      %swap3A_214 = tpu.vector_load %arg6[%swap3A_211, %swap3A_212, %swap3A_213] {strides = array<i32>} : memref<25x1x128xi32, #tpu.memory_space<vmem>>, vector<1x1x16xi32>,
      %swap3A_215 = vector.shape_cast %swap3A_214 : vector<1x1x16xi32> to vector<16xi32>
      %swap3A_216 = vector.shape_cast %get3A_209 : vector<16xi32> to vector<1x1x16xi32>
      tpu.vector_store %arg6[%swap3A_211, %swap3A_212, %swap3A_213], %swap3A_216 {strides = array<i32>} : memref<25x1x128xi32, #tpu.memory_space<vmem>>, vector<1x1x16xi32>,
      %mul3A_217 = arith.constant 128 : i32
      %mul3A_218 = arith.muli %scan3A_120, %mul3A_217 : i32
      %add3A_219 = arith.constant 112 : i32
      %add3A_220 = arith.addi %mul3A_218, %add3A_219 : i32
      %get3A_221 = arith.index_cast %add3A_220 : i32 to index
      %get3A_222 = tpu.vector_load %arg5[%get3A_221] {strides = array<i32>} : memref<3200xi32, #tpu.memory_space<vmem>>, vector<16xi32>,
      %get3A_223 = vector.shape_cast %get3A_222 : vector<16xi32> to vector<16xi32>
      %swap3A_224 = arith.constant 0 : i32
      %swap3A_225 = arith.index_cast %scan3A_120 : i32 to index
      %swap3A_226 = arith.index_cast %swap3A_224 : i32 to index
      %swap3A_227 = arith.constant 112 : index
      %swap3A_228 = tpu.vector_load %arg6[%swap3A_225, %swap3A_226, %swap3A_227] {strides = array<i32>} : memref<25x1x128xi32, #tpu.memory_space<vmem>>, vector<1x1x16xi32>,
      %swap3A_229 = vector.shape_cast %swap3A_228 : vector<1x1x16xi32> to vector<16xi32>
      %swap3A_230 = vector.shape_cast %get3A_223 : vector<16xi32> to vector<1x1x16xi32>
      tpu.vector_store %arg6[%swap3A_225, %swap3A_226, %swap3A_227], %swap3A_230 {strides = array<i32>} : memref<25x1x128xi32, #tpu.memory_space<vmem>>, vector<1x1x16xi32>,
    }
    %scan3A_84 = arith.constant 25 : i32
    %broadcast_in_dim3A_85 = arith.constant 0.000000e+00 : f32
    %broadcast_in_dim3A_86 = vector.broadcast %broadcast_in_dim3A_85 : f32 to vector<16xf32>
    %scan3A_87 = arith.constant 0 : i32
    %scan3A_88 = arith.constant 0 : i32
    %scan3A_89 = arith.constant 32 : i32
    %scan3A_90 = arith.addi %scan3A_88, %scan3A_89 : i32
    %scan3A_91 = arith.constant 1 : i32
    scf.for %scan3A_120 = %scan3A_88 to %scan3A_90 step %scan3A_91  : i32 {
      %swap3A = arith.index_cast %scan3A_120 : i32 to index
      %swap3A_121 = arith.constant 0 : index
      %swap3A_122 = tpu.vector_load %arg8[%swap3A, %swap3A_121] {strides = array<i32>} : memref<32x128xf32, #tpu.memory_space<vmem>>, vector<1x16xf32>,
      %swap3A_123 = vector.shape_cast %swap3A_122 : vector<1x16xf32> to vector<16xf32>
      %swap3A_124 = vector.shape_cast %broadcast_in_dim3A_86 : vector<16xf32> to vector<1x16xf32>
      tpu.vector_store %arg8[%swap3A, %swap3A_121], %swap3A_124 {strides = array<i32>} : memref<32x128xf32, #tpu.memory_space<vmem>>, vector<1x16xf32>,
      %swap3A_125 = arith.index_cast %scan3A_120 : i32 to index
      %swap3A_126 = arith.constant 16 : index
      %swap3A_127 = tpu.vector_load %arg8[%swap3A_125, %swap3A_126] {strides = array<i32>} : memref<32x128xf32, #tpu.memory_space<vmem>>, vector<1x16xf32>,
      %swap3A_128 = vector.shape_cast %swap3A_127 : vector<1x16xf32> to vector<16xf32>
      %swap3A_129 = vector.shape_cast %broadcast_in_dim3A_86 : vector<16xf32> to vector<1x16xf32>
      tpu.vector_store %arg8[%swap3A_125, %swap3A_126], %swap3A_129 {strides = array<i32>} : memref<32x128xf32, #tpu.memory_space<vmem>>, vector<1x16xf32>,
      %swap3A_130 = arith.index_cast %scan3A_120 : i32 to index
      %swap3A_131 = arith.constant 32 : index
      %swap3A_132 = tpu.vector_load %arg8[%swap3A_130, %swap3A_131] {strides = array<i32>} : memref<32x128xf32, #tpu.memory_space<vmem>>, vector<1x16xf32>,
      %swap3A_133 = vector.shape_cast %swap3A_132 : vector<1x16xf32> to vector<16xf32>
      %swap3A_134 = vector.shape_cast %broadcast_in_dim3A_86 : vector<16xf32> to vector<1x16xf32>
      tpu.vector_store %arg8[%swap3A_130, %swap3A_131], %swap3A_134 {strides = array<i32>} : memref<32x128xf32, #tpu.memory_space<vmem>>, vector<1x16xf32>,
      %swap3A_135 = arith.index_cast %scan3A_120 : i32 to index
      %swap3A_136 = arith.constant 48 : index
      %swap3A_137 = tpu.vector_load %arg8[%swap3A_135, %swap3A_136] {strides = array<i32>} : memref<32x128xf32, #tpu.memory_space<vmem>>, vector<1x16xf32>,
      %swap3A_138 = vector.shape_cast %swap3A_137 : vector<1x16xf32> to vector<16xf32>
      %swap3A_139 = vector.shape_cast %broadcast_in_dim3A_86 : vector<16xf32> to vector<1x16xf32>
      tpu.vector_store %arg8[%swap3A_135, %swap3A_136], %swap3A_139 {strides = array<i32>} : memref<32x128xf32, #tpu.memory_space<vmem>>, vector<1x16xf32>,
      %swap3A_140 = arith.index_cast %scan3A_120 : i32 to index
      %swap3A_141 = arith.constant 64 : index
      %swap3A_142 = tpu.vector_load %arg8[%swap3A_140, %swap3A_141] {strides = array<i32>} : memref<32x128xf32, #tpu.memory_space<vmem>>, vector<1x16xf32>,
      %swap3A_143 = vector.shape_cast %swap3A_142 : vector<1x16xf32> to vector<16xf32>
      %swap3A_144 = vector.shape_cast %broadcast_in_dim3A_86 : vector<16xf32> to vector<1x16xf32>
      tpu.vector_store %arg8[%swap3A_140, %swap3A_141], %swap3A_144 {strides = array<i32>} : memref<32x128xf32, #tpu.memory_space<vmem>>, vector<1x16xf32>,
      %swap3A_145 = arith.index_cast %scan3A_120 : i32 to index
      %swap3A_146 = arith.constant 80 : index
      %swap3A_147 = tpu.vector_load %arg8[%swap3A_145, %swap3A_146] {strides = array<i32>} : memref<32x128xf32, #tpu.memory_space<vmem>>, vector<1x16xf32>,
      %swap3A_148 = vector.shape_cast %swap3A_147 : vector<1x16xf32> to vector<16xf32>
      %swap3A_149 = vector.shape_cast %broadcast_in_dim3A_86 : vector<16xf32> to vector<1x16xf32>
      tpu.vector_store %arg8[%swap3A_145, %swap3A_146], %swap3A_149 {strides = array<i32>} : memref<32x128xf32, #tpu.memory_space<vmem>>, vector<1x16xf32>,
      %swap3A_150 = arith.index_cast %scan3A_120 : i32 to index
      %swap3A_151 = arith.constant 96 : index
      %swap3A_152 = tpu.vector_load %arg8[%swap3A_150, %swap3A_151] {strides = array<i32>} : memref<32x128xf32, #tpu.memory_space<vmem>>, vector<1x16xf32>,
      %swap3A_153 = vector.shape_cast %swap3A_152 : vector<1x16xf32> to vector<16xf32>
      %swap3A_154 = vector.shape_cast %broadcast_in_dim3A_86 : vector<16xf32> to vector<1x16xf32>
      tpu.vector_store %arg8[%swap3A_150, %swap3A_151], %swap3A_154 {strides = array<i32>} : memref<32x128xf32, #tpu.memory_space<vmem>>, vector<1x16xf32>,
      %swap3A_155 = arith.index_cast %scan3A_120 : i32 to index
      %swap3A_156 = arith.constant 112 : index
      %swap3A_157 = tpu.vector_load %arg8[%swap3A_155, %swap3A_156] {strides = array<i32>} : memref<32x128xf32, #tpu.memory_space<vmem>>, vector<1x16xf32>,
      %swap3A_158 = vector.shape_cast %swap3A_157 : vector<1x16xf32> to vector<16xf32>
      %swap3A_159 = vector.shape_cast %broadcast_in_dim3A_86 : vector<16xf32> to vector<1x16xf32>
      tpu.vector_store %arg8[%swap3A_155, %swap3A_156], %swap3A_159 {strides = array<i32>} : memref<32x128xf32, #tpu.memory_space<vmem>>, vector<1x16xf32>,
    }
    %scan3A_92 = arith.constant 32 : i32
    %mul3A_93 = arith.constant 32 : i32
    %mul3A_94 = arith.muli %arg1, %mul3A_93 : i32
    "tpu.region"() ({
      %run_scoped3A = tpu.sem_alloc : memref<!tpu.dma_semaphore, #tpu.memory_space<semaphore_mem>>
      %dma_start3A_120 = arith.constant 0 : i32
      %dma_start3A_121 = tpu.memref_slice %arg9[%mul3A_94, %dma_start3A_120] : memref<512x128xf32, #tpu.memory_space<vmem_shared>> -> memref<32x128xf32, #tpu.memory_space<vmem_shared>>
      %dma_start3A_122 = arith.constant 0 : i32
      %dma_start3A_123 = tpu.memref_slice %arg9[%mul3A_94, %dma_start3A_122] : memref<512x128xf32, #tpu.memory_space<vmem_shared>> -> memref<32x128xf32, #tpu.memory_space<vmem_shared>>
      tpu.enqueue_dma source(%arg8 : memref<32x128xf32, #tpu.memory_space<vmem>>) target(%dma_start3A_123 : memref<32x128xf32, #tpu.memory_space<vmem_shared>>) target_semaphore(%run_scoped3A : memref<!tpu.dma_semaphore, #tpu.memory_space<semaphore_mem>>)
      %dma_wait3A = arith.constant 0 : i32
      %dma_wait3A_124 = tpu.memref_slice %arg9[%mul3A_94, %dma_wait3A] : memref<512x128xf32, #tpu.memory_space<vmem_shared>> -> memref<32x128xf32, #tpu.memory_space<vmem_shared>>
      %dma_wait3A_125 = arith.constant 0 : i32
      %dma_wait3A_126 = tpu.memref_slice %arg9[%mul3A_94, %dma_wait3A_125] : memref<512x128xf32, #tpu.memory_space<vmem_shared>> -> memref<32x128xf32, #tpu.memory_space<vmem_shared>>
      tpu.wait_dma2 semaphore(%run_scoped3A : memref<!tpu.dma_semaphore, #tpu.memory_space<semaphore_mem>>) src(%arg8 : memref<32x128xf32, #tpu.memory_space<vmem>>) dst(%dma_wait3A_126 : memref<32x128xf32, #tpu.memory_space<vmem_shared>>)
      tpu.yield
    }) : () -> ()
    %barrier3A = arith.constant 0 : index
    tpu.barrier barrier_id(%barrier3A)
    %while3A = arith.constant 0 : i32
    %while3A_95 = arith.constant 0 : i32
    %while3A_96 = arith.subi %sub3A_6, %while3A_95 : i32
    %while3A_97 = arith.addi %while3A_95, %while3A_96 : i32
    %while3A_98 = arith.constant 1 : i32
    %while3A_99 = arith.divsi %while3A_96, %while3A_98 : i32
    %while3A_100 = arith.muli %while3A_99, %while3A_98 : i32
    %while3A_101 = arith.addi %while3A_95, %while3A_100 : i32
    %while3A_102 = arith.constant 1 : i32
    scf.for %while3A_120 = %while3A_95 to %while3A_101 step %while3A_102  : i32 {
      %add3A_121 = arith.constant 3 : i32
      %add3A_122 = arith.addi %while3A_120, %add3A_121 : i32
      %lt3A_123 = arith.cmpi slt, %add3A_122, %sub3A_6 : i32
      %convert_element_type3A_124 = arith.extui %lt3A_123 : i1 to i32
      %cond3A_125 = arith.constant 0 : i32
      %cond3A_126 = arith.cmpi ne, %convert_element_type3A_124, %cond3A_125 : i32
      scf.if %cond3A_126 {
        %jit3A_168 = arith.constant 6 : i32
        %eq3A_169 = arith.constant 0 : i32
        %eq3A_170 = arith.cmpi eq, %jit3A_168, %eq3A_169 : i32
        %jit3A_171 = arith.constant 1 : i32
        %select_n3A_172 = arith.select %eq3A_170, %jit3A_171, %jit3A_168 : i32
        %rem3A_173 = arith.remsi %add3A_122, %select_n3A_172 : i32
        %ne3A_174 = arith.constant 0 : i32
        %ne3A_175 = arith.cmpi ne, %rem3A_173, %ne3A_174 : i32
        %lt3A_176 = arith.constant 0 : i32
        %lt3A_177 = arith.cmpi slt, %rem3A_173, %lt3A_176 : i32
        %lt3A_178 = arith.constant 0 : i32
        %lt3A_179 = arith.cmpi slt, %select_n3A_172, %lt3A_178 : i32
        %ne3A_180 = arith.xori %lt3A_177, %lt3A_179 : i1
        %and3A_181 = arith.andi %ne3A_180, %ne3A_175 : i1
        %add3A_182 = arith.addi %rem3A_173, %select_n3A_172 : i32
        %select_n3A_183 = arith.select %and3A_181, %add3A_182, %rem3A_173 : i32
        %ge3A = arith.constant 6 : i32
        %ge3A_184 = arith.cmpi sge, %add3A_122, %ge3A : i32
        %convert_element_type3A_185 = arith.extui %ge3A_184 : i1 to i32
        %cond3A_186 = arith.constant 0 : i32
        %cond3A_187 = arith.cmpi ne, %convert_element_type3A_185, %cond3A_186 : i32
        scf.if %cond3A_187 {
          %sub3A_205 = arith.constant 6 : i32
          %sub3A_206 = arith.subi %add3A_122, %sub3A_205 : i32
          %dma_wait3A_207 = arith.constant 0 : i32
          %dma_wait3A_208 = arith.constant 0 : i32
          %dma_wait3A_209 = arith.constant 0 : i32
          %dma_wait3A_210 = tpu.memref_slice %arg7[%select_n3A_183, %dma_wait3A_208, %dma_wait3A_209] : memref<6x128x128xf32, #tpu.memory_space<vmem>> -> memref<1x128x128xf32, #tpu.memory_space<vmem>>
          %dma_wait3A_211 = tpu.memref_squeeze %dma_wait3A_210 : memref<1x128x128xf32, #tpu.memory_space<vmem>> -> memref<128x128xf32, #tpu.memory_space<vmem>>
          %dma_wait3A_212 = arith.constant 0 : i32
          %dma_wait3A_213 = tpu.memref_slice %arg6[%sub3A_206, %dma_wait3A_207, %dma_wait3A_212] : memref<25x1x128xi32, #tpu.memory_space<vmem>> -> memref<1x1x128xi32, #tpu.memory_space<vmem>>
          %dma_wait3A_214 = tpu.memref_squeeze %dma_wait3A_213 : memref<1x1x128xi32, #tpu.memory_space<vmem>> -> memref<128xi32, #tpu.memory_space<vmem>>
          %dma_wait3A_215 = arith.constant 0 : i32
          %dma_wait3A_216 = arith.constant 0 : i32
          %dma_wait3A_217 = tpu.memref_slice %arg9[%dma_wait3A_215, %dma_wait3A_216] : memref<512x128xf32, #tpu.memory_space<vmem_shared>> -> memref<512x128xf32, #tpu.memory_space<vmem_shared>>
          %dma_wait3A_218 = tpu.memref_slice %arg11[%select_n3A_183] : memref<6x!tpu.dma_semaphore, #tpu.memory_space<semaphore_mem>> -> memref<1x!tpu.dma_semaphore, #tpu.memory_space<semaphore_mem>>
          %dma_wait3A_219 = tpu.memref_squeeze %dma_wait3A_218 : memref<1x!tpu.dma_semaphore, #tpu.memory_space<semaphore_mem>> -> memref<!tpu.dma_semaphore, #tpu.memory_space<semaphore_mem>>
          tpu.wait_indirect_dma semaphore(%dma_wait3A_219 : memref<!tpu.dma_semaphore, #tpu.memory_space<semaphore_mem>>) src(%dma_wait3A_211 : memref<128x128xf32, #tpu.memory_space<vmem>>) dst(%dma_wait3A_217 : memref<512x128xf32, #tpu.memory_space<vmem_shared>>)
        } else {
        }
        %add3A_188 = arith.addi %mul3A_2, %add3A_122 : i32
        %mul3A_189 = arith.constant 128 : i32
        %mul3A_190 = arith.muli %add3A_188, %mul3A_189 : i32
        %dma_start3A_191 = arith.constant 0 : i32
        %dma_start3A_192 = arith.constant 0 : i32
        %dma_start3A_193 = tpu.memref_slice %arg7[%select_n3A_183, %dma_start3A_191, %dma_start3A_192] : memref<6x128x128xf32, #tpu.memory_space<vmem>> -> memref<1x128x128xf32, #tpu.memory_space<vmem>>
        %dma_start3A_194 = tpu.memref_squeeze %dma_start3A_193 : memref<1x128x128xf32, #tpu.memory_space<vmem>> -> memref<128x128xf32, #tpu.memory_space<vmem>>
        %dma_start3A_195 = arith.constant 0 : i32
        %dma_start3A_196 = tpu.memref_slice %arg2[%mul3A_190, %dma_start3A_195] : memref<100000x128xf32, #tpu.memory_space<hbm>> -> memref<128x128xf32, #tpu.memory_space<hbm>>
        %dma_start3A_197 = tpu.memref_slice %arg10[%select_n3A_183] : memref<6x!tpu.dma_semaphore, #tpu.memory_space<semaphore_mem>> -> memref<1x!tpu.dma_semaphore, #tpu.memory_space<semaphore_mem>>
        %dma_start3A_198 = tpu.memref_squeeze %dma_start3A_197 : memref<1x!tpu.dma_semaphore, #tpu.memory_space<semaphore_mem>> -> memref<!tpu.dma_semaphore, #tpu.memory_space<semaphore_mem>>
        %dma_start3A_199 = arith.constant 0 : i32
        %dma_start3A_200 = arith.constant 0 : i32
        %dma_start3A_201 = tpu.memref_slice %arg7[%select_n3A_183, %dma_start3A_199, %dma_start3A_200] : memref<6x128x128xf32, #tpu.memory_space<vmem>> -> memref<1x128x128xf32, #tpu.memory_space<vmem>>
        %dma_start3A_202 = tpu.memref_squeeze %dma_start3A_201 : memref<1x128x128xf32, #tpu.memory_space<vmem>> -> memref<128x128xf32, #tpu.memory_space<vmem>>
        %dma_start3A_203 = arith.constant 0 : i32
        %dma_start3A_204 = tpu.memref_slice %arg2[%mul3A_190, %dma_start3A_203] : memref<100000x128xf32, #tpu.memory_space<hbm>> -> memref<128x128xf32, #tpu.memory_space<hbm>>
        tpu.enqueue_dma source(%dma_start3A_204 : memref<128x128xf32, #tpu.memory_space<hbm>>) target(%dma_start3A_202 : memref<128x128xf32, #tpu.memory_space<vmem>>) target_semaphore(%dma_start3A_198 : memref<!tpu.dma_semaphore, #tpu.memory_space<semaphore_mem>>)
      } else {
      }
      %jit3A_127 = arith.constant 6 : i32
      %eq3A_128 = arith.constant 0 : i32
      %eq3A_129 = arith.cmpi eq, %jit3A_127, %eq3A_128 : i32
      %jit3A_130 = arith.constant 1 : i32
      %select_n3A = arith.select %eq3A_129, %jit3A_130, %jit3A_127 : i32
      %rem3A = arith.remsi %while3A_120, %select_n3A : i32
      %ne3A = arith.constant 0 : i32
      %ne3A_131 = arith.cmpi ne, %rem3A, %ne3A : i32
      %lt3A_132 = arith.constant 0 : i32
      %lt3A_133 = arith.cmpi slt, %rem3A, %lt3A_132 : i32
      %lt3A_134 = arith.constant 0 : i32
      %lt3A_135 = arith.cmpi slt, %select_n3A, %lt3A_134 : i32
      %ne3A_136 = arith.xori %lt3A_133, %lt3A_135 : i1
      %and3A = arith.andi %ne3A_136, %ne3A_131 : i1
      %add3A_137 = arith.addi %rem3A, %select_n3A : i32
      %select_n3A_138 = arith.select %and3A, %add3A_137, %rem3A : i32
      %add3A_139 = arith.addi %mul3A_2, %while3A_120 : i32
      %mul3A_140 = arith.constant 128 : i32
      %mul3A_141 = arith.muli %add3A_139, %mul3A_140 : i32
      %dma_wait3A = arith.constant 0 : i32
      %dma_wait3A_142 = arith.constant 0 : i32
      %dma_wait3A_143 = tpu.memref_slice %arg7[%select_n3A_138, %dma_wait3A, %dma_wait3A_142] : memref<6x128x128xf32, #tpu.memory_space<vmem>> -> memref<1x128x128xf32, #tpu.memory_space<vmem>>
      %dma_wait3A_144 = tpu.memref_squeeze %dma_wait3A_143 : memref<1x128x128xf32, #tpu.memory_space<vmem>> -> memref<128x128xf32, #tpu.memory_space<vmem>>
      %dma_wait3A_145 = arith.constant 0 : i32
      %dma_wait3A_146 = tpu.memref_slice %arg2[%mul3A_141, %dma_wait3A_145] : memref<100000x128xf32, #tpu.memory_space<hbm>> -> memref<128x128xf32, #tpu.memory_space<hbm>>
      %dma_wait3A_147 = tpu.memref_slice %arg10[%select_n3A_138] : memref<6x!tpu.dma_semaphore, #tpu.memory_space<semaphore_mem>> -> memref<1x!tpu.dma_semaphore, #tpu.memory_space<semaphore_mem>>
      %dma_wait3A_148 = tpu.memref_squeeze %dma_wait3A_147 : memref<1x!tpu.dma_semaphore, #tpu.memory_space<semaphore_mem>> -> memref<!tpu.dma_semaphore, #tpu.memory_space<semaphore_mem>>
      %dma_wait3A_149 = arith.constant 0 : i32
      %dma_wait3A_150 = arith.constant 0 : i32
      %dma_wait3A_151 = tpu.memref_slice %arg7[%select_n3A_138, %dma_wait3A_149, %dma_wait3A_150] : memref<6x128x128xf32, #tpu.memory_space<vmem>> -> memref<1x128x128xf32, #tpu.memory_space<vmem>>
      %dma_wait3A_152 = tpu.memref_squeeze %dma_wait3A_151 : memref<1x128x128xf32, #tpu.memory_space<vmem>> -> memref<128x128xf32, #tpu.memory_space<vmem>>
      %dma_wait3A_153 = arith.constant 0 : i32
      %dma_wait3A_154 = tpu.memref_slice %arg2[%mul3A_141, %dma_wait3A_153] : memref<100000x128xf32, #tpu.memory_space<hbm>> -> memref<128x128xf32, #tpu.memory_space<hbm>>
      tpu.wait_dma2 semaphore(%dma_wait3A_148 : memref<!tpu.dma_semaphore, #tpu.memory_space<semaphore_mem>>) src(%dma_wait3A_154 : memref<128x128xf32, #tpu.memory_space<hbm>>) dst(%dma_wait3A_152 : memref<128x128xf32, #tpu.memory_space<vmem>>)
      %dma_start3A_155 = arith.constant 0 : i32
      %dma_start3A_156 = arith.constant 0 : i32
      %dma_start3A_157 = arith.constant 0 : i32
      %dma_start3A_158 = tpu.memref_slice %arg7[%select_n3A_138, %dma_start3A_156, %dma_start3A_157] : memref<6x128x128xf32, #tpu.memory_space<vmem>> -> memref<1x128x128xf32, #tpu.memory_space<vmem>>
      %dma_start3A_159 = tpu.memref_squeeze %dma_start3A_158 : memref<1x128x128xf32, #tpu.memory_space<vmem>> -> memref<128x128xf32, #tpu.memory_space<vmem>>
      %dma_start3A_160 = arith.constant 0 : i32
      %dma_start3A_161 = tpu.memref_slice %arg6[%while3A_120, %dma_start3A_155, %dma_start3A_160] : memref<25x1x128xi32, #tpu.memory_space<vmem>> -> memref<1x1x128xi32, #tpu.memory_space<vmem>>
      %dma_start3A_162 = tpu.memref_squeeze %dma_start3A_161 : memref<1x1x128xi32, #tpu.memory_space<vmem>> -> memref<128xi32, #tpu.memory_space<vmem>>
      %dma_start3A_163 = arith.constant 0 : i32
      %dma_start3A_164 = arith.constant 0 : i32
      %dma_start3A_165 = tpu.memref_slice %arg9[%dma_start3A_163, %dma_start3A_164] : memref<512x128xf32, #tpu.memory_space<vmem_shared>> -> memref<512x128xf32, #tpu.memory_space<vmem_shared>>
      %dma_start3A_166 = tpu.memref_slice %arg11[%select_n3A_138] : memref<6x!tpu.dma_semaphore, #tpu.memory_space<semaphore_mem>> -> memref<1x!tpu.dma_semaphore, #tpu.memory_space<semaphore_mem>>
      %dma_start3A_167 = tpu.memref_squeeze %dma_start3A_166 : memref<1x!tpu.dma_semaphore, #tpu.memory_space<semaphore_mem>> -> memref<!tpu.dma_semaphore, #tpu.memory_space<semaphore_mem>>
      tpu.enqueue_indirect_dma source(%dma_start3A_159 : memref<128x128xf32, #tpu.memory_space<vmem>>) target(%dma_start3A_165 : memref<512x128xf32, #tpu.memory_space<vmem_shared>>) offsets(%dma_start3A_162 : memref<128xi32, #tpu.memory_space<vmem>>) semaphore(%dma_start3A_167 : memref<!tpu.dma_semaphore, #tpu.memory_space<semaphore_mem>>) {add = true}
    }
    %while3A_103 = arith.constant 1 : i32
    scf.for %while3A_120 = %while3A_101 to %while3A_97 step %while3A_103  : i32 {
      %add3A_121 = arith.constant 3 : i32
      %add3A_122 = arith.addi %while3A_120, %add3A_121 : i32
      %lt3A_123 = arith.cmpi slt, %add3A_122, %sub3A_6 : i32
      %convert_element_type3A_124 = arith.extui %lt3A_123 : i1 to i32
      %cond3A_125 = arith.constant 0 : i32
      %cond3A_126 = arith.cmpi ne, %convert_element_type3A_124, %cond3A_125 : i32
      scf.if %cond3A_126 {
        %jit3A_168 = arith.constant 6 : i32
        %eq3A_169 = arith.constant 0 : i32
        %eq3A_170 = arith.cmpi eq, %jit3A_168, %eq3A_169 : i32
        %jit3A_171 = arith.constant 1 : i32
        %select_n3A_172 = arith.select %eq3A_170, %jit3A_171, %jit3A_168 : i32
        %rem3A_173 = arith.remsi %add3A_122, %select_n3A_172 : i32
        %ne3A_174 = arith.constant 0 : i32
        %ne3A_175 = arith.cmpi ne, %rem3A_173, %ne3A_174 : i32
        %lt3A_176 = arith.constant 0 : i32
        %lt3A_177 = arith.cmpi slt, %rem3A_173, %lt3A_176 : i32
        %lt3A_178 = arith.constant 0 : i32
        %lt3A_179 = arith.cmpi slt, %select_n3A_172, %lt3A_178 : i32
        %ne3A_180 = arith.xori %lt3A_177, %lt3A_179 : i1
        %and3A_181 = arith.andi %ne3A_180, %ne3A_175 : i1
        %add3A_182 = arith.addi %rem3A_173, %select_n3A_172 : i32
        %select_n3A_183 = arith.select %and3A_181, %add3A_182, %rem3A_173 : i32
        %ge3A = arith.constant 6 : i32
        %ge3A_184 = arith.cmpi sge, %add3A_122, %ge3A : i32
        %convert_element_type3A_185 = arith.extui %ge3A_184 : i1 to i32
        %cond3A_186 = arith.constant 0 : i32
        %cond3A_187 = arith.cmpi ne, %convert_element_type3A_185, %cond3A_186 : i32
        scf.if %cond3A_187 {
          %sub3A_205 = arith.constant 6 : i32
          %sub3A_206 = arith.subi %add3A_122, %sub3A_205 : i32
          %dma_wait3A_207 = arith.constant 0 : i32
          %dma_wait3A_208 = arith.constant 0 : i32
          %dma_wait3A_209 = arith.constant 0 : i32
          %dma_wait3A_210 = tpu.memref_slice %arg7[%select_n3A_183, %dma_wait3A_208, %dma_wait3A_209] : memref<6x128x128xf32, #tpu.memory_space<vmem>> -> memref<1x128x128xf32, #tpu.memory_space<vmem>>
          %dma_wait3A_211 = tpu.memref_squeeze %dma_wait3A_210 : memref<1x128x128xf32, #tpu.memory_space<vmem>> -> memref<128x128xf32, #tpu.memory_space<vmem>>
          %dma_wait3A_212 = arith.constant 0 : i32
          %dma_wait3A_213 = tpu.memref_slice %arg6[%sub3A_206, %dma_wait3A_207, %dma_wait3A_212] : memref<25x1x128xi32, #tpu.memory_space<vmem>> -> memref<1x1x128xi32, #tpu.memory_space<vmem>>
          %dma_wait3A_214 = tpu.memref_squeeze %dma_wait3A_213 : memref<1x1x128xi32, #tpu.memory_space<vmem>> -> memref<128xi32, #tpu.memory_space<vmem>>
          %dma_wait3A_215 = arith.constant 0 : i32
          %dma_wait3A_216 = arith.constant 0 : i32
          %dma_wait3A_217 = tpu.memref_slice %arg9[%dma_wait3A_215, %dma_wait3A_216] : memref<512x128xf32, #tpu.memory_space<vmem_shared>> -> memref<512x128xf32, #tpu.memory_space<vmem_shared>>
          %dma_wait3A_218 = tpu.memref_slice %arg11[%select_n3A_183] : memref<6x!tpu.dma_semaphore, #tpu.memory_space<semaphore_mem>> -> memref<1x!tpu.dma_semaphore, #tpu.memory_space<semaphore_mem>>
          %dma_wait3A_219 = tpu.memref_squeeze %dma_wait3A_218 : memref<1x!tpu.dma_semaphore, #tpu.memory_space<semaphore_mem>> -> memref<!tpu.dma_semaphore, #tpu.memory_space<semaphore_mem>>
          tpu.wait_indirect_dma semaphore(%dma_wait3A_219 : memref<!tpu.dma_semaphore, #tpu.memory_space<semaphore_mem>>) src(%dma_wait3A_211 : memref<128x128xf32, #tpu.memory_space<vmem>>) dst(%dma_wait3A_217 : memref<512x128xf32, #tpu.memory_space<vmem_shared>>)
        } else {
        }
        %add3A_188 = arith.addi %mul3A_2, %add3A_122 : i32
        %mul3A_189 = arith.constant 128 : i32
        %mul3A_190 = arith.muli %add3A_188, %mul3A_189 : i32
        %dma_start3A_191 = arith.constant 0 : i32
        %dma_start3A_192 = arith.constant 0 : i32
        %dma_start3A_193 = tpu.memref_slice %arg7[%select_n3A_183, %dma_start3A_191, %dma_start3A_192] : memref<6x128x128xf32, #tpu.memory_space<vmem>> -> memref<1x128x128xf32, #tpu.memory_space<vmem>>
        %dma_start3A_194 = tpu.memref_squeeze %dma_start3A_193 : memref<1x128x128xf32, #tpu.memory_space<vmem>> -> memref<128x128xf32, #tpu.memory_space<vmem>>
        %dma_start3A_195 = arith.constant 0 : i32
        %dma_start3A_196 = tpu.memref_slice %arg2[%mul3A_190, %dma_start3A_195] : memref<100000x128xf32, #tpu.memory_space<hbm>> -> memref<128x128xf32, #tpu.memory_space<hbm>>
        %dma_start3A_197 = tpu.memref_slice %arg10[%select_n3A_183] : memref<6x!tpu.dma_semaphore, #tpu.memory_space<semaphore_mem>> -> memref<1x!tpu.dma_semaphore, #tpu.memory_space<semaphore_mem>>
        %dma_start3A_198 = tpu.memref_squeeze %dma_start3A_197 : memref<1x!tpu.dma_semaphore, #tpu.memory_space<semaphore_mem>> -> memref<!tpu.dma_semaphore, #tpu.memory_space<semaphore_mem>>
        %dma_start3A_199 = arith.constant 0 : i32
        %dma_start3A_200 = arith.constant 0 : i32
        %dma_start3A_201 = tpu.memref_slice %arg7[%select_n3A_183, %dma_start3A_199, %dma_start3A_200] : memref<6x128x128xf32, #tpu.memory_space<vmem>> -> memref<1x128x128xf32, #tpu.memory_space<vmem>>
        %dma_start3A_202 = tpu.memref_squeeze %dma_start3A_201 : memref<1x128x128xf32, #tpu.memory_space<vmem>> -> memref<128x128xf32, #tpu.memory_space<vmem>>
        %dma_start3A_203 = arith.constant 0 : i32
        %dma_start3A_204 = tpu.memref_slice %arg2[%mul3A_190, %dma_start3A_203] : memref<100000x128xf32, #tpu.memory_space<hbm>> -> memref<128x128xf32, #tpu.memory_space<hbm>>
        tpu.enqueue_dma source(%dma_start3A_204 : memref<128x128xf32, #tpu.memory_space<hbm>>) target(%dma_start3A_202 : memref<128x128xf32, #tpu.memory_space<vmem>>) target_semaphore(%dma_start3A_198 : memref<!tpu.dma_semaphore, #tpu.memory_space<semaphore_mem>>)
      } else {
      }
      %jit3A_127 = arith.constant 6 : i32
      %eq3A_128 = arith.constant 0 : i32
      %eq3A_129 = arith.cmpi eq, %jit3A_127, %eq3A_128 : i32
      %jit3A_130 = arith.constant 1 : i32
      %select_n3A = arith.select %eq3A_129, %jit3A_130, %jit3A_127 : i32
      %rem3A = arith.remsi %while3A_120, %select_n3A : i32
      %ne3A = arith.constant 0 : i32
      %ne3A_131 = arith.cmpi ne, %rem3A, %ne3A : i32
      %lt3A_132 = arith.constant 0 : i32
      %lt3A_133 = arith.cmpi slt, %rem3A, %lt3A_132 : i32
      %lt3A_134 = arith.constant 0 : i32
      %lt3A_135 = arith.cmpi slt, %select_n3A, %lt3A_134 : i32
      %ne3A_136 = arith.xori %lt3A_133, %lt3A_135 : i1
      %and3A = arith.andi %ne3A_136, %ne3A_131 : i1
      %add3A_137 = arith.addi %rem3A, %select_n3A : i32
      %select_n3A_138 = arith.select %and3A, %add3A_137, %rem3A : i32
      %add3A_139 = arith.addi %mul3A_2, %while3A_120 : i32
      %mul3A_140 = arith.constant 128 : i32
      %mul3A_141 = arith.muli %add3A_139, %mul3A_140 : i32
      %dma_wait3A = arith.constant 0 : i32
      %dma_wait3A_142 = arith.constant 0 : i32
      %dma_wait3A_143 = tpu.memref_slice %arg7[%select_n3A_138, %dma_wait3A, %dma_wait3A_142] : memref<6x128x128xf32, #tpu.memory_space<vmem>> -> memref<1x128x128xf32, #tpu.memory_space<vmem>>
      %dma_wait3A_144 = tpu.memref_squeeze %dma_wait3A_143 : memref<1x128x128xf32, #tpu.memory_space<vmem>> -> memref<128x128xf32, #tpu.memory_space<vmem>>
      %dma_wait3A_145 = arith.constant 0 : i32
      %dma_wait3A_146 = tpu.memref_slice %arg2[%mul3A_141, %dma_wait3A_145] : memref<100000x128xf32, #tpu.memory_space<hbm>> -> memref<128x128xf32, #tpu.memory_space<hbm>>
      %dma_wait3A_147 = tpu.memref_slice %arg10[%select_n3A_138] : memref<6x!tpu.dma_semaphore, #tpu.memory_space<semaphore_mem>> -> memref<1x!tpu.dma_semaphore, #tpu.memory_space<semaphore_mem>>
      %dma_wait3A_148 = tpu.memref_squeeze %dma_wait3A_147 : memref<1x!tpu.dma_semaphore, #tpu.memory_space<semaphore_mem>> -> memref<!tpu.dma_semaphore, #tpu.memory_space<semaphore_mem>>
      %dma_wait3A_149 = arith.constant 0 : i32
      %dma_wait3A_150 = arith.constant 0 : i32
      %dma_wait3A_151 = tpu.memref_slice %arg7[%select_n3A_138, %dma_wait3A_149, %dma_wait3A_150] : memref<6x128x128xf32, #tpu.memory_space<vmem>> -> memref<1x128x128xf32, #tpu.memory_space<vmem>>
      %dma_wait3A_152 = tpu.memref_squeeze %dma_wait3A_151 : memref<1x128x128xf32, #tpu.memory_space<vmem>> -> memref<128x128xf32, #tpu.memory_space<vmem>>
      %dma_wait3A_153 = arith.constant 0 : i32
      %dma_wait3A_154 = tpu.memref_slice %arg2[%mul3A_141, %dma_wait3A_153] : memref<100000x128xf32, #tpu.memory_space<hbm>> -> memref<128x128xf32, #tpu.memory_space<hbm>>
      tpu.wait_dma2 semaphore(%dma_wait3A_148 : memref<!tpu.dma_semaphore, #tpu.memory_space<semaphore_mem>>) src(%dma_wait3A_154 : memref<128x128xf32, #tpu.memory_space<hbm>>) dst(%dma_wait3A_152 : memref<128x128xf32, #tpu.memory_space<vmem>>)
      %dma_start3A_155 = arith.constant 0 : i32
      %dma_start3A_156 = arith.constant 0 : i32
      %dma_start3A_157 = arith.constant 0 : i32
      %dma_start3A_158 = tpu.memref_slice %arg7[%select_n3A_138, %dma_start3A_156, %dma_start3A_157] : memref<6x128x128xf32, #tpu.memory_space<vmem>> -> memref<1x128x128xf32, #tpu.memory_space<vmem>>
      %dma_start3A_159 = tpu.memref_squeeze %dma_start3A_158 : memref<1x128x128xf32, #tpu.memory_space<vmem>> -> memref<128x128xf32, #tpu.memory_space<vmem>>
      %dma_start3A_160 = arith.constant 0 : i32
      %dma_start3A_161 = tpu.memref_slice %arg6[%while3A_120, %dma_start3A_155, %dma_start3A_160] : memref<25x1x128xi32, #tpu.memory_space<vmem>> -> memref<1x1x128xi32, #tpu.memory_space<vmem>>
      %dma_start3A_162 = tpu.memref_squeeze %dma_start3A_161 : memref<1x1x128xi32, #tpu.memory_space<vmem>> -> memref<128xi32, #tpu.memory_space<vmem>>
      %dma_start3A_163 = arith.constant 0 : i32
      %dma_start3A_164 = arith.constant 0 : i32
      %dma_start3A_165 = tpu.memref_slice %arg9[%dma_start3A_163, %dma_start3A_164] : memref<512x128xf32, #tpu.memory_space<vmem_shared>> -> memref<512x128xf32, #tpu.memory_space<vmem_shared>>
      %dma_start3A_166 = tpu.memref_slice %arg11[%select_n3A_138] : memref<6x!tpu.dma_semaphore, #tpu.memory_space<semaphore_mem>> -> memref<1x!tpu.dma_semaphore, #tpu.memory_space<semaphore_mem>>
      %dma_start3A_167 = tpu.memref_squeeze %dma_start3A_166 : memref<1x!tpu.dma_semaphore, #tpu.memory_space<semaphore_mem>> -> memref<!tpu.dma_semaphore, #tpu.memory_space<semaphore_mem>>
      tpu.enqueue_indirect_dma source(%dma_start3A_159 : memref<128x128xf32, #tpu.memory_space<vmem>>) target(%dma_start3A_165 : memref<512x128xf32, #tpu.memory_space<vmem_shared>>) offsets(%dma_start3A_162 : memref<128xi32, #tpu.memory_space<vmem>>) semaphore(%dma_start3A_167 : memref<!tpu.dma_semaphore, #tpu.memory_space<semaphore_mem>>) {add = true}
    }
    %scan3A_104 = arith.constant 0 : i32
    %scan3A_105 = arith.constant 0 : i32
    %scan3A_106 = arith.constant 6 : i32
    %scan3A_107 = arith.addi %scan3A_105, %scan3A_106 : i32
    %scan3A_108 = arith.constant 1 : i32
    scf.for %scan3A_120 = %scan3A_105 to %scan3A_107 step %scan3A_108  : i32 {
      %sub3A_121 = arith.constant 6 : i32
      %sub3A_122 = arith.subi %sub3A_6, %sub3A_121 : i32
      %add3A_123 = arith.addi %sub3A_122, %scan3A_120 : i32
      %ge3A = arith.constant 0 : i32
      %ge3A_124 = arith.cmpi sge, %add3A_123, %ge3A : i32
      %convert_element_type3A_125 = arith.extui %ge3A_124 : i1 to i32
      %cond3A_126 = arith.constant 0 : i32
      %cond3A_127 = arith.cmpi ne, %convert_element_type3A_125, %cond3A_126 : i32
      scf.if %cond3A_127 {
        %jit3A_128 = arith.constant 6 : i32
        %eq3A_129 = arith.constant 0 : i32
        %eq3A_130 = arith.cmpi eq, %jit3A_128, %eq3A_129 : i32
        %jit3A_131 = arith.constant 1 : i32
        %select_n3A = arith.select %eq3A_130, %jit3A_131, %jit3A_128 : i32
        %rem3A = arith.remsi %add3A_123, %select_n3A : i32
        %ne3A = arith.constant 0 : i32
        %ne3A_132 = arith.cmpi ne, %rem3A, %ne3A : i32
        %lt3A_133 = arith.constant 0 : i32
        %lt3A_134 = arith.cmpi slt, %rem3A, %lt3A_133 : i32
        %lt3A_135 = arith.constant 0 : i32
        %lt3A_136 = arith.cmpi slt, %select_n3A, %lt3A_135 : i32
        %ne3A_137 = arith.xori %lt3A_134, %lt3A_136 : i1
        %and3A = arith.andi %ne3A_137, %ne3A_132 : i1
        %add3A_138 = arith.addi %rem3A, %select_n3A : i32
        %select_n3A_139 = arith.select %and3A, %add3A_138, %rem3A : i32
        %dma_wait3A = arith.constant 0 : i32
        %dma_wait3A_140 = arith.constant 0 : i32
        %dma_wait3A_141 = arith.constant 0 : i32
        %dma_wait3A_142 = tpu.memref_slice %arg7[%select_n3A_139, %dma_wait3A_140, %dma_wait3A_141] : memref<6x128x128xf32, #tpu.memory_space<vmem>> -> memref<1x128x128xf32, #tpu.memory_space<vmem>>
        %dma_wait3A_143 = tpu.memref_squeeze %dma_wait3A_142 : memref<1x128x128xf32, #tpu.memory_space<vmem>> -> memref<128x128xf32, #tpu.memory_space<vmem>>
        %dma_wait3A_144 = arith.constant 0 : i32
        %dma_wait3A_145 = tpu.memref_slice %arg6[%add3A_123, %dma_wait3A, %dma_wait3A_144] : memref<25x1x128xi32, #tpu.memory_space<vmem>> -> memref<1x1x128xi32, #tpu.memory_space<vmem>>
        %dma_wait3A_146 = tpu.memref_squeeze %dma_wait3A_145 : memref<1x1x128xi32, #tpu.memory_space<vmem>> -> memref<128xi32, #tpu.memory_space<vmem>>
        %dma_wait3A_147 = arith.constant 0 : i32
        %dma_wait3A_148 = arith.constant 0 : i32
        %dma_wait3A_149 = tpu.memref_slice %arg9[%dma_wait3A_147, %dma_wait3A_148] : memref<512x128xf32, #tpu.memory_space<vmem_shared>> -> memref<512x128xf32, #tpu.memory_space<vmem_shared>>
        %dma_wait3A_150 = tpu.memref_slice %arg11[%select_n3A_139] : memref<6x!tpu.dma_semaphore, #tpu.memory_space<semaphore_mem>> -> memref<1x!tpu.dma_semaphore, #tpu.memory_space<semaphore_mem>>
        %dma_wait3A_151 = tpu.memref_squeeze %dma_wait3A_150 : memref<1x!tpu.dma_semaphore, #tpu.memory_space<semaphore_mem>> -> memref<!tpu.dma_semaphore, #tpu.memory_space<semaphore_mem>>
        tpu.wait_indirect_dma semaphore(%dma_wait3A_151 : memref<!tpu.dma_semaphore, #tpu.memory_space<semaphore_mem>>) src(%dma_wait3A_143 : memref<128x128xf32, #tpu.memory_space<vmem>>) dst(%dma_wait3A_149 : memref<512x128xf32, #tpu.memory_space<vmem_shared>>)
      } else {
      }
    }
    %scan3A_109 = arith.constant 6 : i32
    %eq3A_110 = arith.constant 31 : i32
    %eq3A_111 = arith.cmpi eq, %add3A, %eq3A_110 : i32
    %convert_element_type3A_112 = arith.extui %eq3A_111 : i1 to i32
    %cond3A_113 = arith.constant 0 : i32
    %cond3A_114 = arith.cmpi ne, %convert_element_type3A_112, %cond3A_113 : i32
    scf.if %cond3A_114 {
      %run_scoped3A = arith.constant 0 : i32
      "tpu.region"() ({
        %run_scoped3A_130 = tpu.sem_alloc : memref<!tpu.dma_semaphore, #tpu.memory_space<semaphore_mem>>
        %dma_start3A_131 = arith.constant 0 : i32
        %dma_start3A_132 = arith.constant 0 : i32
        %dma_start3A_133 = tpu.memref_slice %arg7[%run_scoped3A, %dma_start3A_131, %dma_start3A_132] : memref<6x128x128xf32, #tpu.memory_space<vmem>> -> memref<1x32x128xf32, #tpu.memory_space<vmem>>
        %dma_start3A_134 = tpu.memref_squeeze %dma_start3A_133 : memref<1x32x128xf32, #tpu.memory_space<vmem>> -> memref<32x128xf32, #tpu.memory_space<vmem>>
        %dma_start3A_135 = arith.constant 99968 : i32
        %dma_start3A_136 = arith.constant 0 : i32
        %dma_start3A_137 = tpu.memref_slice %arg2[%dma_start3A_135, %dma_start3A_136] : memref<100000x128xf32, #tpu.memory_space<hbm>> -> memref<32x128xf32, #tpu.memory_space<hbm>>
        %dma_start3A_138 = arith.constant 0 : i32
        %dma_start3A_139 = arith.constant 0 : i32
        %dma_start3A_140 = tpu.memref_slice %arg7[%run_scoped3A, %dma_start3A_138, %dma_start3A_139] : memref<6x128x128xf32, #tpu.memory_space<vmem>> -> memref<1x32x128xf32, #tpu.memory_space<vmem>>
        %dma_start3A_141 = tpu.memref_squeeze %dma_start3A_140 : memref<1x32x128xf32, #tpu.memory_space<vmem>> -> memref<32x128xf32, #tpu.memory_space<vmem>>
        %dma_start3A_142 = arith.constant 99968 : i32
        %dma_start3A_143 = arith.constant 0 : i32
        %dma_start3A_144 = tpu.memref_slice %arg2[%dma_start3A_142, %dma_start3A_143] : memref<100000x128xf32, #tpu.memory_space<hbm>> -> memref<32x128xf32, #tpu.memory_space<hbm>>
        tpu.enqueue_dma source(%dma_start3A_144 : memref<32x128xf32, #tpu.memory_space<hbm>>) target(%dma_start3A_141 : memref<32x128xf32, #tpu.memory_space<vmem>>) target_semaphore(%run_scoped3A_130 : memref<!tpu.dma_semaphore, #tpu.memory_space<semaphore_mem>>)
        %dma_wait3A = arith.constant 0 : i32
        %dma_wait3A_145 = arith.constant 0 : i32
        %dma_wait3A_146 = tpu.memref_slice %arg7[%run_scoped3A, %dma_wait3A, %dma_wait3A_145] : memref<6x128x128xf32, #tpu.memory_space<vmem>> -> memref<1x32x128xf32, #tpu.memory_space<vmem>>
        %dma_wait3A_147 = tpu.memref_squeeze %dma_wait3A_146 : memref<1x32x128xf32, #tpu.memory_space<vmem>> -> memref<32x128xf32, #tpu.memory_space<vmem>>
        %dma_wait3A_148 = arith.constant 99968 : i32
        %dma_wait3A_149 = arith.constant 0 : i32
        %dma_wait3A_150 = tpu.memref_slice %arg2[%dma_wait3A_148, %dma_wait3A_149] : memref<100000x128xf32, #tpu.memory_space<hbm>> -> memref<32x128xf32, #tpu.memory_space<hbm>>
        %dma_wait3A_151 = arith.constant 0 : i32
        %dma_wait3A_152 = arith.constant 0 : i32
        %dma_wait3A_153 = tpu.memref_slice %arg7[%run_scoped3A, %dma_wait3A_151, %dma_wait3A_152] : memref<6x128x128xf32, #tpu.memory_space<vmem>> -> memref<1x32x128xf32, #tpu.memory_space<vmem>>
        %dma_wait3A_154 = tpu.memref_squeeze %dma_wait3A_153 : memref<1x32x128xf32, #tpu.memory_space<vmem>> -> memref<32x128xf32, #tpu.memory_space<vmem>>
        %dma_wait3A_155 = arith.constant 99968 : i32
        %dma_wait3A_156 = arith.constant 0 : i32
        %dma_wait3A_157 = tpu.memref_slice %arg2[%dma_wait3A_155, %dma_wait3A_156] : memref<100000x128xf32, #tpu.memory_space<hbm>> -> memref<32x128xf32, #tpu.memory_space<hbm>>
        tpu.wait_dma2 semaphore(%run_scoped3A_130 : memref<!tpu.dma_semaphore, #tpu.memory_space<semaphore_mem>>) src(%dma_wait3A_157 : memref<32x128xf32, #tpu.memory_space<hbm>>) dst(%dma_wait3A_154 : memref<32x128xf32, #tpu.memory_space<vmem>>)
        tpu.yield
      }) : () -> ()
      %scan3A_120 = arith.constant 0 : i32
      %scan3A_121 = arith.constant 32 : i32
      %scan3A_122 = arith.constant 96 : i32
      %scan3A_123 = arith.addi %scan3A_121, %scan3A_122 : i32
      %scan3A_124 = arith.constant 1 : i32
      scf.for %scan3A_130 = %scan3A_121 to %scan3A_123 step %scan3A_124  : i32 {
        %swap3A = arith.constant 0 : i32
        %swap3A_131 = arith.index_cast %swap3A : i32 to index
        %swap3A_132 = arith.index_cast %scan3A_130 : i32 to index
        %swap3A_133 = arith.constant 0 : index
        %swap3A_134 = tpu.vector_load %arg7[%swap3A_131, %swap3A_132, %swap3A_133] {strides = array<i32>} : memref<6x128x128xf32, #tpu.memory_space<vmem>>, vector<1x1x16xf32>,
        %swap3A_135 = vector.shape_cast %swap3A_134 : vector<1x1x16xf32> to vector<16xf32>
        %swap3A_136 = vector.shape_cast %broadcast_in_dim3A_86 : vector<16xf32> to vector<1x1x16xf32>
        tpu.vector_store %arg7[%swap3A_131, %swap3A_132, %swap3A_133], %swap3A_136 {strides = array<i32>} : memref<6x128x128xf32, #tpu.memory_space<vmem>>, vector<1x1x16xf32>,
        %swap3A_137 = arith.constant 0 : i32
        %swap3A_138 = arith.index_cast %swap3A_137 : i32 to index
        %swap3A_139 = arith.index_cast %scan3A_130 : i32 to index
        %swap3A_140 = arith.constant 16 : index
        %swap3A_141 = tpu.vector_load %arg7[%swap3A_138, %swap3A_139, %swap3A_140] {strides = array<i32>} : memref<6x128x128xf32, #tpu.memory_space<vmem>>, vector<1x1x16xf32>,
        %swap3A_142 = vector.shape_cast %swap3A_141 : vector<1x1x16xf32> to vector<16xf32>
        %swap3A_143 = vector.shape_cast %broadcast_in_dim3A_86 : vector<16xf32> to vector<1x1x16xf32>
        tpu.vector_store %arg7[%swap3A_138, %swap3A_139, %swap3A_140], %swap3A_143 {strides = array<i32>} : memref<6x128x128xf32, #tpu.memory_space<vmem>>, vector<1x1x16xf32>,
        %swap3A_144 = arith.constant 0 : i32
        %swap3A_145 = arith.index_cast %swap3A_144 : i32 to index
        %swap3A_146 = arith.index_cast %scan3A_130 : i32 to index
        %swap3A_147 = arith.constant 32 : index
        %swap3A_148 = tpu.vector_load %arg7[%swap3A_145, %swap3A_146, %swap3A_147] {strides = array<i32>} : memref<6x128x128xf32, #tpu.memory_space<vmem>>, vector<1x1x16xf32>,
        %swap3A_149 = vector.shape_cast %swap3A_148 : vector<1x1x16xf32> to vector<16xf32>
        %swap3A_150 = vector.shape_cast %broadcast_in_dim3A_86 : vector<16xf32> to vector<1x1x16xf32>
        tpu.vector_store %arg7[%swap3A_145, %swap3A_146, %swap3A_147], %swap3A_150 {strides = array<i32>} : memref<6x128x128xf32, #tpu.memory_space<vmem>>, vector<1x1x16xf32>,
        %swap3A_151 = arith.constant 0 : i32
        %swap3A_152 = arith.index_cast %swap3A_151 : i32 to index
        %swap3A_153 = arith.index_cast %scan3A_130 : i32 to index
        %swap3A_154 = arith.constant 48 : index
        %swap3A_155 = tpu.vector_load %arg7[%swap3A_152, %swap3A_153, %swap3A_154] {strides = array<i32>} : memref<6x128x128xf32, #tpu.memory_space<vmem>>, vector<1x1x16xf32>,
        %swap3A_156 = vector.shape_cast %swap3A_155 : vector<1x1x16xf32> to vector<16xf32>
        %swap3A_157 = vector.shape_cast %broadcast_in_dim3A_86 : vector<16xf32> to vector<1x1x16xf32>
        tpu.vector_store %arg7[%swap3A_152, %swap3A_153, %swap3A_154], %swap3A_157 {strides = array<i32>} : memref<6x128x128xf32, #tpu.memory_space<vmem>>, vector<1x1x16xf32>,
        %swap3A_158 = arith.constant 0 : i32
        %swap3A_159 = arith.index_cast %swap3A_158 : i32 to index
        %swap3A_160 = arith.index_cast %scan3A_130 : i32 to index
        %swap3A_161 = arith.constant 64 : index
        %swap3A_162 = tpu.vector_load %arg7[%swap3A_159, %swap3A_160, %swap3A_161] {strides = array<i32>} : memref<6x128x128xf32, #tpu.memory_space<vmem>>, vector<1x1x16xf32>,
        %swap3A_163 = vector.shape_cast %swap3A_162 : vector<1x1x16xf32> to vector<16xf32>
        %swap3A_164 = vector.shape_cast %broadcast_in_dim3A_86 : vector<16xf32> to vector<1x1x16xf32>
        tpu.vector_store %arg7[%swap3A_159, %swap3A_160, %swap3A_161], %swap3A_164 {strides = array<i32>} : memref<6x128x128xf32, #tpu.memory_space<vmem>>, vector<1x1x16xf32>,
        %swap3A_165 = arith.constant 0 : i32
        %swap3A_166 = arith.index_cast %swap3A_165 : i32 to index
        %swap3A_167 = arith.index_cast %scan3A_130 : i32 to index
        %swap3A_168 = arith.constant 80 : index
        %swap3A_169 = tpu.vector_load %arg7[%swap3A_166, %swap3A_167, %swap3A_168] {strides = array<i32>} : memref<6x128x128xf32, #tpu.memory_space<vmem>>, vector<1x1x16xf32>,
        %swap3A_170 = vector.shape_cast %swap3A_169 : vector<1x1x16xf32> to vector<16xf32>
        %swap3A_171 = vector.shape_cast %broadcast_in_dim3A_86 : vector<16xf32> to vector<1x1x16xf32>
        tpu.vector_store %arg7[%swap3A_166, %swap3A_167, %swap3A_168], %swap3A_171 {strides = array<i32>} : memref<6x128x128xf32, #tpu.memory_space<vmem>>, vector<1x1x16xf32>,
        %swap3A_172 = arith.constant 0 : i32
        %swap3A_173 = arith.index_cast %swap3A_172 : i32 to index
        %swap3A_174 = arith.index_cast %scan3A_130 : i32 to index
        %swap3A_175 = arith.constant 96 : index
        %swap3A_176 = tpu.vector_load %arg7[%swap3A_173, %swap3A_174, %swap3A_175] {strides = array<i32>} : memref<6x128x128xf32, #tpu.memory_space<vmem>>, vector<1x1x16xf32>,
        %swap3A_177 = vector.shape_cast %swap3A_176 : vector<1x1x16xf32> to vector<16xf32>
        %swap3A_178 = vector.shape_cast %broadcast_in_dim3A_86 : vector<16xf32> to vector<1x1x16xf32>
        tpu.vector_store %arg7[%swap3A_173, %swap3A_174, %swap3A_175], %swap3A_178 {strides = array<i32>} : memref<6x128x128xf32, #tpu.memory_space<vmem>>, vector<1x1x16xf32>,
        %swap3A_179 = arith.constant 0 : i32
        %swap3A_180 = arith.index_cast %swap3A_179 : i32 to index
        %swap3A_181 = arith.index_cast %scan3A_130 : i32 to index
        %swap3A_182 = arith.constant 112 : index
        %swap3A_183 = tpu.vector_load %arg7[%swap3A_180, %swap3A_181, %swap3A_182] {strides = array<i32>} : memref<6x128x128xf32, #tpu.memory_space<vmem>>, vector<1x1x16xf32>,
        %swap3A_184 = vector.shape_cast %swap3A_183 : vector<1x1x16xf32> to vector<16xf32>
        %swap3A_185 = vector.shape_cast %broadcast_in_dim3A_86 : vector<16xf32> to vector<1x1x16xf32>
        tpu.vector_store %arg7[%swap3A_180, %swap3A_181, %swap3A_182], %swap3A_185 {strides = array<i32>} : memref<6x128x128xf32, #tpu.memory_space<vmem>>, vector<1x1x16xf32>,
      }
      %scan3A_125 = arith.constant 96 : i32
      %sub3A_126 = arith.constant 1 : i32
      %sub3A_127 = arith.subi %min3A, %sub3A_126 : i32
      %run_scoped3A_128 = arith.constant 0 : i32
      %run_scoped3A_129 = arith.constant 0 : i32
      "tpu.region"() ({
        %run_scoped3A_130 = tpu.sem_alloc : memref<!tpu.dma_semaphore, #tpu.memory_space<semaphore_mem>>
        %dma_start3A_131 = arith.constant 0 : i32
        %dma_start3A_132 = arith.constant 0 : i32
        %dma_start3A_133 = tpu.memref_slice %arg7[%run_scoped3A_128, %dma_start3A_131, %dma_start3A_132] : memref<6x128x128xf32, #tpu.memory_space<vmem>> -> memref<1x128x128xf32, #tpu.memory_space<vmem>>
        %dma_start3A_134 = tpu.memref_squeeze %dma_start3A_133 : memref<1x128x128xf32, #tpu.memory_space<vmem>> -> memref<128x128xf32, #tpu.memory_space<vmem>>
        %dma_start3A_135 = arith.constant 0 : i32
        %dma_start3A_136 = tpu.memref_slice %arg6[%sub3A_127, %run_scoped3A_129, %dma_start3A_135] : memref<25x1x128xi32, #tpu.memory_space<vmem>> -> memref<1x1x128xi32, #tpu.memory_space<vmem>>
        %dma_start3A_137 = tpu.memref_squeeze %dma_start3A_136 : memref<1x1x128xi32, #tpu.memory_space<vmem>> -> memref<128xi32, #tpu.memory_space<vmem>>
        %dma_start3A_138 = arith.constant 0 : i32
        %dma_start3A_139 = arith.constant 0 : i32
        %dma_start3A_140 = tpu.memref_slice %arg9[%dma_start3A_138, %dma_start3A_139] : memref<512x128xf32, #tpu.memory_space<vmem_shared>> -> memref<512x128xf32, #tpu.memory_space<vmem_shared>>
        tpu.enqueue_indirect_dma source(%dma_start3A_134 : memref<128x128xf32, #tpu.memory_space<vmem>>) target(%dma_start3A_140 : memref<512x128xf32, #tpu.memory_space<vmem_shared>>) offsets(%dma_start3A_137 : memref<128xi32, #tpu.memory_space<vmem>>) semaphore(%run_scoped3A_130 : memref<!tpu.dma_semaphore, #tpu.memory_space<semaphore_mem>>) {add = true}
        %dma_wait3A = arith.constant 0 : i32
        %dma_wait3A_141 = arith.constant 0 : i32
        %dma_wait3A_142 = tpu.memref_slice %arg7[%run_scoped3A_128, %dma_wait3A, %dma_wait3A_141] : memref<6x128x128xf32, #tpu.memory_space<vmem>> -> memref<1x128x128xf32, #tpu.memory_space<vmem>>
        %dma_wait3A_143 = tpu.memref_squeeze %dma_wait3A_142 : memref<1x128x128xf32, #tpu.memory_space<vmem>> -> memref<128x128xf32, #tpu.memory_space<vmem>>
        %dma_wait3A_144 = arith.constant 0 : i32
        %dma_wait3A_145 = tpu.memref_slice %arg6[%sub3A_127, %run_scoped3A_129, %dma_wait3A_144] : memref<25x1x128xi32, #tpu.memory_space<vmem>> -> memref<1x1x128xi32, #tpu.memory_space<vmem>>
        %dma_wait3A_146 = tpu.memref_squeeze %dma_wait3A_145 : memref<1x1x128xi32, #tpu.memory_space<vmem>> -> memref<128xi32, #tpu.memory_space<vmem>>
        %dma_wait3A_147 = arith.constant 0 : i32
        %dma_wait3A_148 = arith.constant 0 : i32
        %dma_wait3A_149 = tpu.memref_slice %arg9[%dma_wait3A_147, %dma_wait3A_148] : memref<512x128xf32, #tpu.memory_space<vmem_shared>> -> memref<512x128xf32, #tpu.memory_space<vmem_shared>>
        tpu.wait_indirect_dma semaphore(%run_scoped3A_130 : memref<!tpu.dma_semaphore, #tpu.memory_space<semaphore_mem>>) src(%dma_wait3A_143 : memref<128x128xf32, #tpu.memory_space<vmem>>) dst(%dma_wait3A_149 : memref<512x128xf32, #tpu.memory_space<vmem_shared>>)
        tpu.yield
      }) : () -> ()
    } else {
    }
    %barrier3A_115 = arith.constant 0 : index
    tpu.barrier barrier_id(%barrier3A_115)
    %mul3A_116 = arith.constant 32 : i32
    %mul3A_117 = arith.muli %arg1, %mul3A_116 : i32
    %mul3A_118 = arith.constant 32 : i32
    %mul3A_119 = arith.muli %arg1, %mul3A_118 : i32
    "tpu.region"() ({
      %run_scoped3A = tpu.sem_alloc : memref<!tpu.dma_semaphore, #tpu.memory_space<semaphore_mem>>
      %dma_start3A_120 = arith.constant 0 : i32
      %dma_start3A_121 = tpu.memref_slice %arg4[%arg0, %mul3A_119, %dma_start3A_120] : memref<2x512x128xf32, #tpu.memory_space<hbm>> -> memref<1x32x128xf32, #tpu.memory_space<hbm>>
      %dma_start3A_122 = tpu.memref_squeeze %dma_start3A_121 : memref<1x32x128xf32, #tpu.memory_space<hbm>> -> memref<32x128xf32, #tpu.memory_space<hbm>>
      %dma_start3A_123 = arith.constant 0 : i32
      %dma_start3A_124 = tpu.memref_slice %arg9[%mul3A_117, %dma_start3A_123] : memref<512x128xf32, #tpu.memory_space<vmem_shared>> -> memref<32x128xf32, #tpu.memory_space<vmem_shared>>
      tpu.enqueue_dma source(%dma_start3A_124 : memref<32x128xf32, #tpu.memory_space<vmem_shared>>) target(%dma_start3A_122 : memref<32x128xf32, #tpu.memory_space<hbm>>) target_semaphore(%run_scoped3A : memref<!tpu.dma_semaphore, #tpu.memory_space<semaphore_mem>>)
      %dma_wait3A = arith.constant 0 : i32
      %dma_wait3A_125 = tpu.memref_slice %arg4[%arg0, %mul3A_119, %dma_wait3A] : memref<2x512x128xf32, #tpu.memory_space<hbm>> -> memref<1x32x128xf32, #tpu.memory_space<hbm>>
      %dma_wait3A_126 = tpu.memref_squeeze %dma_wait3A_125 : memref<1x32x128xf32, #tpu.memory_space<hbm>> -> memref<32x128xf32, #tpu.memory_space<hbm>>
      %dma_wait3A_127 = arith.constant 0 : i32
      %dma_wait3A_128 = tpu.memref_slice %arg9[%mul3A_117, %dma_wait3A_127] : memref<512x128xf32, #tpu.memory_space<vmem_shared>> -> memref<32x128xf32, #tpu.memory_space<vmem_shared>>
      tpu.wait_dma2 semaphore(%run_scoped3A : memref<!tpu.dma_semaphore, #tpu.memory_space<semaphore_mem>>) src(%dma_wait3A_128 : memref<32x128xf32, #tpu.memory_space<vmem_shared>>) dst(%dma_wait3A_126 : memref<32x128xf32, #tpu.memory_space<hbm>>)
      tpu.yield
    }) : () -> ()
    return
  }
}

</mosaic_0001>

<sc_bundles>
// kernel: _segment_sum_sc.3.cloned.1.call-start
scs
__scs_entry_jumppad:
0x0: {  	(pc) =	sbr.rel $0x88, $3  }
0x1: {  	(tag) =	ssettag $0x0;
	lr =	simm.s32 $0x1  }
0x2: {  	[smem:$0x3F9F] =	sst lr;
	_ =	strace $0xD0000000  }
0x3: {  	_ = 	snop  }
0x4: {  	_ = 	snop  }
0x5: {  	_ = 	snop  }
0x6: {  	_ = 	snop  }
0x7: {  	_ = 	snop  }
__scs_overlays_trampoline_lowered:
0x8: {  	[smem:$0x3FAE] =	sst s0  }
0x9: {  	[smem:$0x3FAF] =	sst s1  }
0xa: {  	[smem:$0x3FB0] =	sst s2  }
0xb: {  	[smem:$0x3FB1] =	sst s3  }
0xc: {  	[smem:$0x3FB2] =	sst s4  }
0xd: {  	[smem:$0x3FB3] =	sst s5  }
0xe: {  	[smem:$0x3FB4] =	sst s6  }
0xf: {  	[smem:$0x3FB5] =	sst s7  }
0x10: {  	[smem:$0x3FB6] =	sst s8  }
0x11: {  	[smem:$0x3FB7] =	sst s9;
	s0 =	simm.s32 @!p0 $0x0  }
0x12: {  	s1 =	sld [smem:$0x3F9D];
	s0 =	simm.s32 @p0 $0x1  }
0x13: {  	[smem:$0x3FB8] =	sst s0;
	s0 =	simm.s32 @!p1 $0x0  }
0x14: {  	s2 =	sld [smem:$0x3F9C];
	s0 =	simm.s32 @p1 $0x1  }
0x15: {  	[smem:$0x3FB9] =	sst s0;
	s0 =	simm.s32 @!p2 $0x0  }
0x16: {  	s3 =	sld [smem:$0x3FDB];
	s0 =	simm.s32 @p2 $0x1  }
0x17: {  	s4 =	simm.s32 $0x1BF5;
	[smem:$0x3FBB] =	sst s0  }
0x18: {  	s0 =	sld [smem:$0x3F9E];
	_ =	swait.ge [sflag:s4], $0x0  }
0x19: {  	s7 =	sld [smem:$0x3F9F]  }
0x1a: {  	s8 =	sadd.s32 $0xFFFFE003, lr  }
0x1b: {  	s9 =	sadd.s32 $0xFFFFFEF7, lr;
	s5 =	simm.s32 $0xFFFFFFFF;
	p2 =	slt.u32 s8, $0xFFFFF086  }
0x1c: {  	p1 =	slt.u32 s9, $0xF7A;
	s5 =	simm.s32 @!p2 $0x0  }
0x1d: {  	s5 =	simm.s32 @p1 $0x1;
	p0 =	seq.s32 s7, s2  }
0x1e: {  	s7 =	smul.u32 @!p0 $0xF7A, s2;
	p2 =	seq.s32 @!p0 s5, $0x0  }
0x1f: {  	s9 =	smul.u32 $0xF7A, s1;
	s8 =	simm.s32 @!p0 $0x1BF5;
	p2 =	por !p2, p0  }
0x20: {  	[sflag:s8] =	ssyncset.s32 @!p0 $0xFFFFF086;
	s6 =	sadd.s32 @!p0 s3, s7;
	s7 =	simm.s32 @!p0 $0x108  }
0x21: {  	s3 =	sadd.s32 s3, s9;
	s6 =	sadd.s32 @!p0 $0x88, s6;
	s7 =	simm.s32 @p2 $0x1082  }
0x22: {  	[simem:s7], [sflag:s8] =	dma.local @!p0 [hbm:s6], $0xF7A  }
0x23: {  	s9 =	sor.u32 $0xD0000000, s2;
	s6 =	simm.s32 $0x108;
	_ =	swait.ge @!p0 [sflag:s8], $0x0  }
0x24: {  	s3 =	sadd.s32 $0x88, s3;
	s6 =	simm.s32 @!p1 $0x1082;
	[sflag:s4] =	ssyncset.s32 $0xFFFFF086  }
0x25: {  	[simem:s6], [sflag:s4] =	dma.local [hbm:s3], $0xF7A  }
0x26: {  	[smem:$0x3F9F] =	sst s1;
	(tag) =	ssettag s2;
	_ =	strace s9  }
0x27: {  	s1 =	sld [smem:$0x3FAF]  }
0x28: {  	s2 =	sld [smem:$0x3FB0]  }
0x29: {  	s4 =	sld [smem:$0x3FB2]  }
0x2a: {  	p0 =	seq.s32 s5, $0x0;
	s5 =	sld [smem:$0x3FB3]  }
0x2b: {  	s6 =	sld [smem:$0x3FB4]  }
0x2c: {  	s7 =	sld [smem:$0x3FB5]  }
0x2d: {  	s3 =	simm.s32 $0x108;
	s8 =	sld [smem:$0x3FB6]  }
0x2e: {  	s3 =	simm.s32 @!p0 $0x1082;
	s9 =	sld [smem:$0x3FB7]  }
0x2f: {  	lr =	sadd.s32 s0, s3;
	s0 =	sld [smem:$0x3FAE]  }
0x30: {  	s3 =	sld [smem:$0x3FB1]  }
0x31: {  	[smem:$0x3FBA] =	sst s10  }
0x32: {  	s10 =	sld [smem:$0x3FB8];
	_ =	sdelay $0x3  }
0x33: {  	p0 =	seq.s32 s10, $0x1;
	s10 =	sld [smem:$0x3FBA];
	_ =	sdelay $0x3  }
0x34: {  	[smem:$0x3FBA] =	sst s10  }
0x35: {  	s10 =	sld [smem:$0x3FB9];
	_ =	sdelay $0x3  }
0x36: {  	p1 =	seq.s32 s10, $0x1;
	s10 =	sld [smem:$0x3FBA];
	_ =	sdelay $0x3  }
0x37: {  	[smem:$0x3FBA] =	sst s10  }
0x38: {  	s10 =	sld [smem:$0x3FBB]  }
0x39: {  	_ = 	snop;
	(pc) =	sbr.ind lr, $3  }
0x3a: {  	_ = 	snop  }
0x3b: {  	_ = 	snop  }
0x3c: {  	p2 =	seq.s32 s10, $0x1;
	s10 =	sld [smem:$0x3FBA]  }
0x3d: {  	_ =	shalt  }
0x3e: {  	_ =	shalt  }
0x3f: {  	_ =	shalt  }
0x40: {  	_ =	shalt  }
0x41: {  	_ =	shalt  }
0x42: {  	_ =	shalt  }
0x43: {  	_ =	shalt  }
0x44: {  	_ =	shalt  }
0x45: {  	_ =	shalt  }
0x46: {  	_ =	shalt  }
0x47: {  	_ =	shalt  }
0x48: {  	_ =	shalt  }
0x49: {  	_ =	shalt  }
0x4a: {  	_ =	shalt  }
0x4b: {  	_ =	shalt  }
0x4c: {  	_ =	shalt  }
0x4d: {  	_ =	shalt  }
0x4e: {  	_ =	shalt  }
0x4f: {  	_ =	shalt  }
0x50: {  	_ =	shalt  }
0x51: {  	_ =	shalt  }
0x52: {  	_ =	shalt  }
0x53: {  	_ =	shalt  }
0x54: {  	_ =	shalt  }
0x55: {  	_ =	shalt  }
0x56: {  	_ =	shalt  }
0x57: {  	_ =	shalt  }
0x58: {  	_ =	shalt  }
0x59: {  	_ =	shalt  }
0x5a: {  	_ =	shalt  }
0x5b: {  	_ =	shalt  }
0x5c: {  	_ =	shalt  }
0x5d: {  	_ =	shalt  }
0x5e: {  	_ =	shalt  }
0x5f: {  	_ =	shalt  }
0x60: {  	_ =	shalt  }
0x61: {  	_ =	shalt  }
0x62: {  	_ =	shalt  }
0x63: {  	_ =	shalt  }
0x64: {  	_ =	shalt  }
0x65: {  	_ =	shalt  }
0x66: {  	_ =	shalt  }
0x67: {  	_ =	shalt  }
0x68: {  	_ =	shalt  }
0x69: {  	_ =	shalt  }
0x6a: {  	_ =	shalt  }
0x6b: {  	_ =	shalt  }
0x6c: {  	_ =	shalt  }
0x6d: {  	_ =	shalt  }
0x6e: {  	_ =	shalt  }
0x6f: {  	_ =	shalt  }
0x70: {  	_ =	shalt  }
0x71: {  	_ =	shalt  }
0x72: {  	_ =	shalt  }
0x73: {  	_ =	shalt  }
0x74: {  	_ =	shalt  }
0x75: {  	_ =	shalt  }
0x76: {  	_ =	shalt  }
0x77: {  	_ =	shalt  }
0x78: {  	_ =	shalt  }
0x79: {  	_ =	shalt  }
0x7a: {  	_ =	shalt  }
0x7b: {  	_ =	shalt  }
0x7c: {  	_ =	shalt  }
0x7d: {  	_ =	shalt  }
0x7e: {  	_ =	shalt  }
0x7f: {  	_ =	shalt  }
0x80: {  	_ =	shalt  }
0x81: {  	_ =	shalt  }
0x82: {  	_ =	shalt  }
0x83: {  	_ =	shalt  }
0x84: {  	_ =	shalt  }
0x85: {  	_ =	shalt  }
0x86: {  	_ =	shalt  }
0x87: {  	_ =	shalt  }
.Lfunc_end0:
.L_simem_size_0:
called_computation_lowered:
.L_overlay_start_0:
0x88: {  	s2 =	sld [smem:$0x3FD9]  }
0x89: {  	s3 =	sld [smem:$0x3FFE];
	_ =	sdelay $0x1  }
0x8a: {  	s1 =	srdreg.scid  }
0x8b: {  	s0 =	sand.u32 $0x1, s1  }
0x8c: {  	s18 =	sshll.u32 s0, $0xA;
	s2 =	sadd.s32 s3, s2  }
0x8d: {  	s2 =	sadd.s32 s2, s18  }
0x8e: {  	[smem:$0x3FC6] =	sst s2  }
0x8f: {  	_ = 	snop  }
0x90: {  	s2 =	sld [smem:$0x3FC9]  }
0x91: {  	s19 =	sld [smem:$0x3FC8]  }
0x92: {  	s4 =	sld [smem:$0x3FD0];
	(tm) =	ssettm $0x1  }
0x93: {  	s5 =	sld [smem:$0x3FFB];
	_ =	sdelay $0x3  }
0x94: {  	_ =	strace s5  }
0x95: {  	s5 =	sld [smem:$0x3FFC];
	_ =	sdelay $0x3  }
0x96: {  	_ =	strace s5  }
0x97: {  	s5 =	sld [smem:$0x3FFD];
	_ =	sdelay $0x3  }
0x98: {  	_ =	strace s5  }
0x99: {  	_ =	strace $0x8FFFFFFF  }
0x9a: {  	s20 =	sld [smem:$0x3FDB];
	_ =	sdelay $0x1  }
0x9b: {  	s6 =	simm.s32 $_scs_section_size  }
0x9c: {  	s7 =	simm.s32 $_size__tile_overlayer_lowered;
	s8 =	simm.s32 $_tile_overlayer_lowered  }
0x9d: {  	s23 =	simm.s32 $0x1BFF;
	s22 =	sshll.u32 s8, $0x1;
	s5 =	sadd.s32 s6, s20  }
0x9e: {  	s9 =	simm.s32 $0x0;
	s21 =	sshll.u32 s7, $0x1;
	s7 =	sadd.s32 s22, s5  }
0x9f: {  	[timem:s9], [sflag:s23] =	dma.local [hbm:s7], s21  }
0xa0: {  	_ =	swait.ge [sflag:s23], s21  }
0xa1: {  	s6 =	ssub.s32 $0x0, s21;
	[sflag:s23] =	ssyncset.done $0x0  }
0xa2: {  	[sflag:s23] =	ssyncadd.s32 s6;
	_ =	sdelay $0x1  }
0xa3: {  	s24 =	simm.s32 $0x1B8B  }
0xa4: {  	_ =	swait.ge [sflag:s24], $0x1  }
0xa5: {  	[sflag:s24] =	ssyncset.done $0x0  }
0xa6: {  	s25 =	simm.s32 $0x1B8E;
	[sflag:s24] =	ssyncadd.s32 $0xFFFFFFFF  }
0xa7: {  	s26 =	simm.s32 $execute0_lowered;
	[smem:$0x3FD2] =	sst s25  }
0xa8: {  	s6 =	sshll.u32 s26, $0x1;
	_ =	strace $0x80000046;
	[dreg:$0x1] =	wrdreg $0xFFFFFFFF  }
0xa9: {  	s28 =	simm.s32 $_size_execute0_lowered;
	s5 =	sadd.s32 s5, s6;
	[dreg:$0x0] =	wrdreg $0x0  }
0xaa: {  	s6 =	sshll.u32 s28, $0x1;
	[dreg:$0x2] =	wrdreg s5  }
0xab: {  	[dreg:$0x3] =	wrdreg s6  }
0xac: {  	[dreg:$0x4] =	wrdreg $0xC0  }
0xad: {  	_ =	task [dreg:s9], $0x5FFFF  }
0xae: {  	[dreg:$0x1] =	wrdreg $0xFFFFFFFF  }
0xaf: {  	[dreg:$0x0] =	wrdreg $0x60  }
0xb0: {  	[dreg:$0x2] =	wrdreg s2  }
0xb1: {  	[dreg:$0x3] =	wrdreg s19  }
0xb2: {  	[dreg:$0x4] =	wrdreg s4  }
0xb3: {  	[dreg:$0x5] =	wrdreg $0x1A9000  }
0xb4: {  	[dreg:$0x6] =	wrdreg $0x9  }
0xb5: {  	_ =	task.clear_ibuf [dreg:s9], $0x7FFFF;
	_ =	strace $0x90000046  }
0xb6: {  	s29 =	simm.s32 $0x9;
	_ =	strace $0x80000048  }
0xb7: {  	_ =	swait.ge [sflag:s29], $0x1  }
0xb8: {  	[sflag:s29] =	ssyncadd.s32 $0xFFFFFFFF  }
0xb9: {  	_ =	strace $0x90000048  }
0xba: {  	_ =	sfence  }
0xbb: {  	s30 =	sld [smem:$0x0];
	_ =	sdelay $0x2  }
0xbc: {  	s31 =	sshll.u32 s1, $0xD;
	s1 =	sshrl.u32 s1, $0x2  }
0xbd: {  	s3 =	sand.u32 $0x4000, s31;
	s1 =	sadd.s32 s1, s30  }
0xbe: {  	s0 =	sor.u32 s3, s0;
	s1 =	sshll.u32 s1, $0x11  }
0xbf: {  	s0 =	sor.u32 s1, s0  }
0xc0: {  	s0 =	sadd.s32 $0x8F2B, s0  }
0xc1: {  	[sflag:s0] =	ssyncadd.remote.s32 $0x1  }
0xc2: {  	_ =	sfence.sel $0xFFFF  }
0xc3: {  	[dreg:$0x0] =	wrdreg $0xFFFFFFFF;
	(pc) =	sbr.abs _section_cstart, $3  }
0xc4: {  	[dreg:$0x1] =	wrdreg $0xFFFFFFFF  }
0xc5: {  	_ =	task.clear_ibuf [dreg:s9], $0x2FFFF;
	_ =	strace $0x9FFFFFFF  }
0xc6: {  	(tm) =	ssettm $0x7FFFFFFF  }
0xc7: {  	_ =	shalt  }
tec
execute0_lowered:
.L_overlay_start_1:
0x0: {  	(tag) =	ssettag $0x1  }
0x1: {  	s1 =	rddreg [dreg:$0x0]  }
0x2: {  	s0 =	rddreg [dreg:$0x1]  }
0x3: {  	s2 =	rddreg [dreg:$0x2]  }
0x4: {  	s4 =	srdreg.scid;
	s15 =	stileid.u32  }
0x5: {  	s3 =	rddreg [dreg:$0x3];
	s10 =	simm.s32 $0x1;
	s6 =	sand.u32 $0x1, s4  }
0x6: {  	s17 =	sshll.u32 s15, $0x1;
	s4 =	simm.s32 $0x0;
	s13 =	smul.u32 $0x32, s15  }
0x7: {  	s22 =	sshll.u32 s15, $0xC;
	s7 =	sor.u32 s6, s17;
	s14 =	smul.u32 $0x19, s6  }
0x8: {  	s23 =	sshll.u32 s15, $0x9;
	s26 =	sadd.s32 $0x186800, s1;
	s8 =	smul.u32 $0x19, s7  }
0x9: {  	s5 =	ssub.s32 $0x2, s6;
	[smem:$0x7FF] =	sst s4;
	s19 =	smul.u32 $0x64000, s7  }
0xa: {  	s6 =	sshll.u32 s6, $0xD;
	s9 =	sshrl.u32 s5, $0x1;
	s11 =	smul.u32 $0xC800, s7  }
0xb: {  	_ =	strace $0x80000047;
	p0 =	seq.s32 s7, $0x1F;
	s12 =	smul.u32 $0x190, s7  }
0xc: {  	[dreg:$0xa] =	wrdreg s26;
	p1 =	sne.s32 s7, $0x1F;
	s26 =	simm.s32 $0x6  }
0xd: {  	s9 =	ssub.s32 s5, s9;
	s10 =	simm.s32 @!p0 $0x0;
	s24 =	sadd.s32 s14, s13  }
0xe: {  	s18 =	ssub.s32 $0x30E, s8;
	s8 =	sshrl.u32 s19, $0x3;
	s11 =	sadd.s32 s1, s11  }
0xf: {  	s21 =	sadd.s32 s0, s12;
	s0 =	sadd.s32 $0x3070, s0;
	s25 =	ssub.s32 $0x30E, s24  }
0x10: {  	s29 =	smax.u32 s9, $0x1;
	s30 =	sshll.u32 s24, $0xB;
	[dreg:$0x5] =	wrdreg s11  }
0x11: {  	s9 =	simm.s32 $0x1900;
	s5 =	smin.u32 s18, $0x19;
	[dreg:$0x8] =	wrdreg s21  }
0x12: {  	s8 =	sadd.s32 s1, s8;
	[dreg:$0x9] =	wrdreg s0;
	s0 =	sadd.s32 s2, s23  }
0x13: {  	s28 =	smin.u32 s25, $0x19;
	[dreg:$0xc] =	wrdreg s29;
	s2 =	sadd.s32 $0x1800, s30  }
0x14: {  	s21 =	simm.s32 $0xD;
	s20 =	sadd.s32 $0x800, s8;
	[dreg:$0xd] =	wrdreg s2  }
.Ltmp0:
0x15: {  	s0 =	sadd.s32 s6, s0;
	[dreg:$0x6] =	wrdreg s20;
	(pc) =	sbr.rel .LBB2_1-.Ltmp0, $4  }
0x16: {  	s8 =	sadd.s32 $0x1000, s8;
	[dreg:$0xb] =	wrdreg s0;
	s0 =	ssub.s32 s28, s10  }
0x17: {  	s23 =	simm.s32 $0x80;
	[dreg:$0x7] =	wrdreg s8;
	s31 =	sadd.s32 $0x1, s0  }
0x18: {  	s25 =	simm.s32 $0x0;
	s0 =	sadd.s32 $0xFFFFFFFA, s0;
	[dreg:$0xe] =	wrdreg s31  }
0x19: {  	v0 =	vimm.s32 $0x0;
	v1 =	vimm.f32 $0.0e+00;
	s5 =	ssub.s32 s5, s10;
	s8 =	sadd.s32 s22, s3;
	[dreg:$0xf] =	wrdreg s0  }
.LBB2_17:
0x1a: {  	[tilespmem:s0+$0x2970] =	vst v1  }
0x1b: {  	[tilespmem:s0+$0x2900] =	vst v1  }
0x1c: {  	[tilespmem:s0+$0x2910] =	vst v1  }
0x1d: {  	[tilespmem:s0+$0x2920] =	vst v1  }
0x1e: {  	[tilespmem:s0+$0x2930] =	vst v1  }
0x1f: {  	[tilespmem:s0+$0x2940] =	vst v1  }
0x20: {  	[tilespmem:s0+$0x2950] =	vst v1  }
0x21: {  	[tilespmem:s0+$0x2960] =	vst v1;
	s31 =	simm.s32 $0xF80  }
0x22: {  	[spmem:s3] =	stream.indirect.scatter.add.f32 [tilespmem:s9], [sflag:$0xD], $0x80, s31, s23, $0xb8;
	[tilespmem:$0x1B900] =	vst v63  }
0x23: {  	_ =	swait.ge [sflag:s21], $0x4000  }
0x24: {  	[sflag:s21] =	ssyncset.done $0x0  }
0x25: {  	[sflag:s21] =	ssyncadd.s32 $0xFFFFC000  }
.LBB2_18:
0x26: {  	s0 =	stileid.u32  }
0x27: {  	[bflag:$0x0] =	sbarrier.arrive $0xFFFF;
	s0 =	sshll.u32 s0, $0x6  }
0x28: {  	s2 =	sshrl.u32 s8, $0x3;
	s6 =	rddreg [dreg:$0xb];
	s0 =	sor.u32 $0x1C0D, s0  }
0x29: {  	[hbm:s6], [sflag:s0] =	dma.local [spmem:s2], $0x200  }
0x2a: {  	_ =	swait.ge [sflag:s21], $0x200  }
0x2b: {  	s25 =	sadd.s32 $0x1, s25;
	s31 =	rddreg [dreg:$0xc]  }
0x2c: {  	p2 =	sne.s32 s25, s31  }
.Ltmp1:
0x2d: {  	_ = 	snop;
	(pc) =	sbr.rel @!p2 .LBB2_19-.Ltmp1, $3  }
0x2e: {  	_ =	sdelay $0x1  }
0x2f: {  	[sflag:s21] =	ssyncset.done $0x0  }
0x30: {  	[sflag:s21] =	ssyncadd.s32 $0xFFFFFE00  }
.LBB2_1:
0x31: {  	s0 =	rddreg [dreg:$0x5]  }
0x32: {  	[tilespmem:s9], [sflag:$0x1] =	stream.linear.gather [hbm4b:s0+s4], $0x4000, $0x38;
	[tilespmem:$0x1B900] =	vst v63  }
.Ltmp2:
0x33: {  	_ = 	snop;
	(pc) =	sbr.rel @!p0 .LBB2_2-.Ltmp2, $4  }
0x34: {  	s29 =	rddreg [dreg:$0x6];
	s2 =	simm.s32 $0x5900  }
0x35: {  	[tilespmem:s2], [sflag:$0x2] =	stream.linear.gather [hbm4b:s29+s4], $0x4000, $0x38;
	[tilespmem:$0x1B900] =	vst v63  }
0x36: {  	s30 =	rddreg [dreg:$0x7];
	s31 =	simm.s32 $0x9900  }
0x37: {  	[tilespmem:s31], [sflag:$0x3] =	stream.linear.gather [hbm4b:s30+s4], $0x4000, $0x38;
	[tilespmem:$0x1B900] =	vst v63  }
0x38: {  	s0 =	rddreg [dreg:$0x9]  }
0x39: {  	[tilespmem:s4], [sflag:$0xD] =	stream.linear.gather [hbm4b:s0+s4], $0x320, $0x38;
	[tilespmem:$0x1B900] =	vst v63  }
0x3a: {  	_ =	swait.ge [sflag:s21], $0x320  }
0x3b: {  	[sflag:s21] =	ssyncset.done $0x0  }
0x3c: {  	s2 =	simm.s32 $0x320;
	s0 =	simm.s32 $0xCC0;
	[sflag:s21] =	ssyncadd.s32 $0xFFFFFCE0  }
.LBB2_4:
0x3d: {  	p2 =	sne.s32 s0, $0x31C0;
	[tilespmem:s2+$0x0] =	vst v0;
	s2 =	smov.u32 s0;
	s0 =	sadd.s32 $0x40, s0  }
.Ltmp3:
0x3e: {  	(pc) =	sbr.rel @p2 .LBB2_4-.Ltmp3, $2  }
0x3f: {  	_ =	sdelay $0x2  }
0x40: {  	s2 =	sshra.s32 s2, $0x2  }
.Ltmp4:
0x41: {  	(pc) =	sbr.rel .LBB2_6-.Ltmp4, $2  }
0x42: {  	_ =	sdelay $0x2  }
0x43: {  	[tilespmem:s2+$0x0] =	vst v0  }
.LBB2_2:
0x44: {  	s0 =	rddreg [dreg:$0x8]  }
0x45: {  	[tilespmem:s4], [sflag:$0xD] =	stream.linear.gather [hbm4b:s0+s4], $0xC80, $0x38;
	[tilespmem:$0x1B900] =	vst v63  }
0x46: {  	_ =	swait.ge [sflag:s21], $0xC80  }
0x47: {  	[sflag:s21] =	ssyncset.done $0x0  }
0x48: {  	[sflag:s21] =	ssyncadd.s32 $0xFFFFF380  }
.LBB2_6:
0x49: {  	s2 =	simm.s32 $0x0  }
0x4a: {  	v5 =	vld [tilespmem:s2+$0x70]  }
0x4b: {  	v6 =	vld [tilespmem:s2+$0x0]  }
0x4c: {  	v7 =	vld [tilespmem:s2+$0x10]  }
0x4d: {  	v4 =	vld [tilespmem:s2+$0x20]  }
0x4e: {  	v2 =	vld [tilespmem:s2+$0x30]  }
0x4f: {  	v3 =	vld [tilespmem:s2+$0x40];
	[tilespmem:s2+$0xCF0] =	vst v5  }
0x50: {  	s9 =	simm.s32 $0x200;
	[tilespmem:s2+$0xC80] =	vst v6;
	v5 =	vld [tilespmem:s2+$0x50]  }
0x51: {  	s10 =	simm.s32 $0x80;
	s19 =	simm.s32 $0x400;
	s12 =	simm.s32 $0x0;
	[tilespmem:s2+$0xC90] =	vst v7;
	v6 =	vld [tilespmem:s2+$0x60]  }
.LBB2_7:
0x52: {  	p2 =	sne.s32 s19, $0x3000;
	v7 =	vld [tilespmem:s10+$0x70];
	[tilespmem:s12+$0xCA0] =	vst v4  }
0x53: {  	v8 =	vld [tilespmem:s10+$0x0];
	[tilespmem:s12+$0xCB0] =	vst v2  }
0x54: {  	v9 =	vld [tilespmem:s10+$0x10];
	[tilespmem:s12+$0xCC0] =	vst v3  }
.Ltmp5:
0x55: {  	v4 =	vld [tilespmem:s10+$0x20];
	[tilespmem:s12+$0xCD0] =	vst v5;
	(pc) =	sbr.rel @p2 .LBB2_7-.Ltmp5, $4  }
0x56: {  	v2 =	vld [tilespmem:s10+$0x30];
	[tilespmem:s12+$0xCE0] =	vst v6;
	s12 =	smov.u32 s10  }
0x57: {  	v3 =	vld [tilespmem:s12+$0x40];
	[tilespmem:s12+$0xCF0] =	vst v7  }
0x58: {  	[tilespmem:s12+$0xC80] =	vst v8;
	v5 =	vld [tilespmem:s12+$0x50]  }
0x59: {  	s10 =	sshra.s32 s19, $0x2;
	s19 =	sadd.s32 $0x200, s19;
	[tilespmem:s12+$0xC90] =	vst v9;
	v6 =	vld [tilespmem:s12+$0x60]  }
0x5a: {  	v7 =	vld [tilespmem:s10+$0x70];
	[tilespmem:s12+$0xCA0] =	vst v4  }
0x5b: {  	v4 =	vld [tilespmem:s10+$0x0];
	[tilespmem:s12+$0xCB0] =	vst v2  }
0x5c: {  	v2 =	vld [tilespmem:s10+$0x10];
	[tilespmem:s12+$0xCC0] =	vst v3  }
0x5d: {  	v3 =	vld [tilespmem:s10+$0x20];
	[tilespmem:s12+$0xCD0] =	vst v5  }
0x5e: {  	v5 =	vld [tilespmem:s10+$0x30];
	[tilespmem:s12+$0xCE0] =	vst v6  }
0x5f: {  	v6 =	vld [tilespmem:s10+$0x40];
	[tilespmem:s10+$0xCF0] =	vst v7  }
0x60: {  	v63 =	vld [tilespmem:s10+$0x50];
	[tilespmem:s10+$0xC80] =	vst v4  }
0x61: {  	[tilespmem:s10+$0xC90] =	vst v2;
	v2 =	vld [tilespmem:s10+$0x60]  }
0x62: {  	[tilespmem:s10+$0xCA0] =	vst v3  }
0x63: {  	[tilespmem:s10+$0xCB0] =	vst v5  }
0x64: {  	[tilespmem:s10+$0xCC0] =	vst v6  }
0x65: {  	[tilespmem:s10+$0xCD0] =	vst v63  }
0x66: {  	[tilespmem:s10+$0xCE0] =	vst v2  }
.LBB2_9:
0x67: {  	p2 =	sne.s32 s9, $0x3E00;
	[tilespmem:s2+$0x19970] =	vst v1  }
0x68: {  	[tilespmem:s2+$0x19900] =	vst v1  }
0x69: {  	[tilespmem:s2+$0x19910] =	vst v1  }
.Ltmp6:
0x6a: {  	[tilespmem:s2+$0x19920] =	vst v1;
	(pc) =	sbr.rel @p2 .LBB2_9-.Ltmp6, $4  }
0x6b: {  	[tilespmem:s2+$0x19930] =	vst v1  }
0x6c: {  	[tilespmem:s2+$0x19940] =	vst v1  }
0x6d: {  	[tilespmem:s2+$0x19950] =	vst v1  }
0x6e: {  	[tilespmem:s2+$0x19960] =	vst v1;
	s2 =	sshra.s32 s9, $0x2;
	s9 =	sadd.s32 $0x200, s9  }
0x6f: {  	[tilespmem:s2+$0x19970] =	vst v1  }
0x70: {  	[tilespmem:s2+$0x19900] =	vst v1  }
0x71: {  	[tilespmem:s2+$0x19910] =	vst v1  }
0x72: {  	[tilespmem:s2+$0x19920] =	vst v1  }
0x73: {  	[tilespmem:s2+$0x19930] =	vst v1;
	s17 =	smov.u32 s8;
	s0 =	simm.s32 $0x19900;
	s15 =	simm.s32 $0x0  }
0x74: {  	[tilespmem:s2+$0x19940] =	vst v1;
	s16 =	simm.s32 $0x3;
	s28 =	simm.s32 $0xC80;
	s29 =	simm.s32 $0x1  }
0x75: {  	[tilespmem:s2+$0x19950] =	vst v1;
	p2 =	sgt.u32 s5, $0x1;
	s30 =	simm.s32 $0x5900;
	s24 =	simm.s32 $0x8  }
0x76: {  	[tilespmem:s2+$0x19960] =	vst v1;
	p3 =	sle.u32 s5, $0x3;
	s9 =	simm.s32 $0x11900;
	s2 =	smulhi.u32 $0xAAAAAAAB, s16  }
0x77: {  	[spmem:s8] =	stream.linear.scatter [tilespmem:s0], [sflag:$0xD], $0x1000, $0x38;
	[tilespmem:$0x1B900] =	vst v63  }
0x78: {  	s0 =	smulhi.u32 $0xAAAAAAAB, s15;
	_ =	swait.ge [sflag:s21], $0x1000;
	s6 =	sshrl.u32 s2, $0x2  }
0x79: {  	p4 =	por @!p3 $0x1, $0x1;
	[sflag:s21] =	ssyncset.done $0x0;
	s7 =	smul.u32 $0xFFFFFFE8, s6  }
0x7a: {  	s0 =	sshrl.u32 s0, $0x2;
	[sflag:s21] =	ssyncadd.s32 $0xFFFFF000;
	s6 =	smul.u32 $0xFFFA0000, s6  }
0x7b: {  	p4 =	por p4, p3;
	s10 =	smul.u32 $0xFFFFFFE8, s0;
	[bflag:$0x0] =	sbarrier.arrive $0xFFFF  }
0x7c: {  	s2 =	simm.s32 $0x2;
	s19 =	smul.u32 $0xFFFA0000, s0;
	s4 =	rddreg [dreg:$0xd]  }
0x7d: {  	s7 =	sshra.s32 s7, $0x2;
	s6 =	sshra.s32 s6, $0x2;
	s22 =	sshra.s32 s10, $0x2  }
0x7e: {  	s10 =	simm.s32 @!p3 $0x0;
	s18 =	sshra.s32 s19, $0x2;
	s19 =	simm.s32 $0xB  }
0x7f: {  	s31 =	sadd.s32 $0x800, s4;
	s12 =	sadd.s32 $0xA, s7;
	s0 =	sand.u32 @!p3 $0x1FFFF800, s4  }
0x80: {  	s7 =	sadd.s32 $0x4, s7;
	s6 =	sadd.s32 $0xD900, s6;
	_ =	swait.ge @!p4 [sflag:s12], $0x4000  }
.Ltmp7:
0x81: {  	s20 =	sadd.s32 @!p3 s1, s0;
	[sflag:s12] =	ssyncset.done @!p4 $0x0;
	(pc) =	sbr.rel @!p2 .LBB2_12-.Ltmp7, $4  }
0x82: {  	s0 =	sadd.s32 $0x1, s22;
	[sflag:s12] =	ssyncadd.s32 @!p4 $0xFFFFC000;
	s12 =	simm.s32 $0xC80  }
0x83: {  	[tilespmem:s6], [sflag:s7] =	stream.linear.gather @!p3 [hbm4b:s20+s10], $0x4000, $0x38;
	[tilespmem:$0x1B900] =	vst v63  }
0x84: {  	s10 =	simm.s32 $0x5;
	s20 =	simm.s32 $0x4;
	_ =	swait.ge [sflag:s0], $0x4000  }
0x85: {  	s6 =	sadd.s32 $0x7, s22;
	s7 =	sadd.s32 $0x1900, s18;
	[sflag:s0] =	ssyncset.done $0x0  }
.LBB2_11:
0x86: {  	[sflag:s0] =	ssyncadd.s32 $0xFFFFC000;
	s12 =	sadd.s32 $0x80, s12;
	s0 =	smov.u32 s29  }
0x87: {  	s29 =	sadd.s32 $0x1, s29;
	s22 =	smov.u32 s30;
	s8 =	smov.u32 s31  }
0x88: {  	[spmem:s3] =	stream.indirect.scatter.add.f32 [tilespmem:s7], [sflag:s6], $0x80, s28, s23, $0xb8;
	[tilespmem:$0x1B900] =	vst v63  }
0x89: {  	p2 =	slt.u32 s29, s5;
	s28 =	smov.u32 s12;
	s6 =	smov.u32 s2  }
0x8a: {  	s13 =	smov.u32 s9;
	s18 =	smov.u32 s10;
	s7 =	smov.u32 s24  }
0x8b: {  	s14 =	smulhi.u32 $0xAAAAAAAB, s20;
	s30 =	sadd.s32 $0x4000, s30;
	s31 =	sadd.s32 $0x800, s31  }
0x8c: {  	s9 =	sadd.s32 $0x4000, s9;
	s2 =	sadd.s32 $0x1, s2;
	s24 =	sadd.s32 $0x1, s24  }
0x8d: {  	s16 =	smulhi.u32 $0xAAAAAAAB, s0;
	s11 =	sadd.s32 $0x3, s0;
	s14 =	sshrl.u32 s14, $0x2  }
0x8e: {  	s10 =	sadd.s32 $0x1, s10;
	p3 =	sge.u32 s11, s5;
	s4 =	smul.u32 $0xFFFFFFE8, s14  }
0x8f: {  	s14 =	smul.u32 $0xFFFA0000, s14;
	s16 =	sshrl.u32 s16, $0x2;
	p4 =	slt.u32 @!p3 s0, $0x3  }
0x90: {  	s8 =	sand.u32 @!p3 $0x1FFFF800, s8;
	s11 =	smul.u32 $0xFFFFFFE8, s16;
	s4 =	sshra.s32 s4, $0x2  }
0x91: {  	p4 =	por p4, p3;
	s0 =	sshra.s32 s14, $0x2;
	s15 =	sadd.s32 s4, s19  }
0x92: {  	s14 =	smul.u32 $0xFFFA0000, s16;
	s11 =	sshra.s32 s11, $0x2;
	_ =	swait.ge @!p4 [sflag:s15], $0x4000  }
0x93: {  	s8 =	sadd.s32 @!p3 s1, s8;
	s16 =	simm.s32 @!p3 $0x0;
	[sflag:s15] =	ssyncset.done @!p4 $0x0  }
.Ltmp8:
0x94: {  	s4 =	sadd.s32 s4, s18;
	s13 =	sadd.s32 s0, s13;
	(pc) =	sbr.rel @p2 .LBB2_11-.Ltmp8, $4  }
0x95: {  	s0 =	sadd.s32 s11, s6;
	s14 =	sshra.s32 s14, $0x2;
	[sflag:s15] =	ssyncadd.s32 @!p4 $0xFFFFC000  }
0x96: {  	[tilespmem:s13], [sflag:s4] =	stream.linear.gather @!p3 [hbm4b:s8+s16], $0x4000, $0x38;
	[tilespmem:$0x1B900] =	vst v63  }
0x97: {  	s20 =	sadd.s32 $0x1, s20;
	s19 =	sadd.s32 $0x1, s19;
	_ =	swait.ge [sflag:s0], $0x4000  }
0x98: {  	s6 =	sadd.s32 s11, s7;
	s7 =	sadd.s32 s14, s22;
	[sflag:s0] =	ssyncset.done $0x0  }
.LBB2_12:
0x99: {  	s4 =	rddreg [dreg:$0xf]  }
0x9a: {  	[sflag:s0] =	ssyncadd.s32 $0xFFFFC000;
	p2 =	sne.s32 s26, $0x1;
	s31 =	smulhi.u32 $0xAAAAAAAB, s4  }
0x9b: {  	[spmem:s3] =	stream.indirect.scatter.add.f32 [tilespmem:s7], [sflag:s6], $0x80, s28, s23, $0xb8;
	[tilespmem:$0x1B900] =	vst v63  }
.Ltmp9:
0x9c: {  	_ = 	snop;
	(pc) =	sbr.rel @!p2 .LBB2_14-.Ltmp9, $4  }
0x9d: {  	s0 =	sshrl.u32 s31, $0x2  }
0x9e: {  	s2 =	smul.u32 $0xFFFFFFE8, s0  }
0x9f: {  	s9 =	sadd.s32 $0x1, s4  }
0xa0: {  	s0 =	sadd.s32 $0xFFFFFFFF, s26;
	s6 =	sshra.s32 s2, $0x2;
	s2 =	rddreg [dreg:$0xe]  }
.LBB2_13:
0xa1: {  	s4 =	smulhi.u32 $0xAAAAAAAB, s9;
	s6 =	sadd.s32 s6, s2;
	p2 =	sne.s32 s0, $0x1  }
.Ltmp10:
0xa2: {  	s0 =	sadd.s32 $0xFFFFFFFF, s0;
	_ =	swait.ge [sflag:s6], $0x4000;
	(pc) =	sbr.rel @p2 .LBB2_13-.Ltmp10, $3  }
0xa3: {  	s4 =	sshrl.u32 s4, $0x2;
	[sflag:s6] =	ssyncset.done $0x0  }
0xa4: {  	s4 =	smul.u32 $0xFFFFFFE8, s4;
	[sflag:s6] =	ssyncadd.s32 $0xFFFFC000;
	_ =	sdelay $0x1  }
0xa5: {  	s9 =	sadd.s32 $0x1, s9;
	s2 =	sadd.s32 $0x1, s2;
	s6 =	sshra.s32 s4, $0x2  }
.LBB2_14:
.Ltmp11:
0xa6: {  	(pc) =	sbr.rel @p1 .LBB2_18-.Ltmp11, $4  }
0xa7: {  	s0 =	sadd.s32 s6, s2  }
0xa8: {  	_ =	swait.ge [sflag:s0], $0x4000  }
0xa9: {  	s4 =	simm.s32 $0x0;
	[sflag:s0] =	ssyncset.done $0x0  }
0xaa: {  	s8 =	smov.u32 s17;
	s9 =	simm.s32 $0x1900;
	[sflag:s0] =	ssyncadd.s32 $0xFFFFC000  }
0xab: {  	s0 =	simm.s32 $0x0;
	s2 =	rddreg [dreg:$0xa]  }
0xac: {  	[tilespmem:s9], [sflag:$0xD] =	stream.linear.gather [hbm4b:s2+s0], $0x1000, $0x38;
	[tilespmem:$0x1B900] =	vst v63  }
0xad: {  	_ =	swait.ge [sflag:s21], $0x1000  }
0xae: {  	[sflag:s21] =	ssyncset.done $0x0  }
0xaf: {  	s0 =	simm.s32 $0x0;
	s2 =	simm.s32 $0x200;
	[sflag:s21] =	ssyncadd.s32 $0xFFFFF000  }
.LBB2_16:
0xb0: {  	p2 =	sne.s32 s2, $0xBE00;
	[tilespmem:s0+$0x2970] =	vst v1  }
0xb1: {  	[tilespmem:s0+$0x2900] =	vst v1  }
0xb2: {  	[tilespmem:s0+$0x2910] =	vst v1  }
.Ltmp12:
0xb3: {  	[tilespmem:s0+$0x2920] =	vst v1;
	(pc) =	sbr.rel @p2 .LBB2_16-.Ltmp12, $4  }
0xb4: {  	[tilespmem:s0+$0x2930] =	vst v1  }
0xb5: {  	[tilespmem:s0+$0x2940] =	vst v1  }
0xb6: {  	[tilespmem:s0+$0x2950] =	vst v1  }
0xb7: {  	[tilespmem:s0+$0x2960] =	vst v1;
	s0 =	sshra.s32 s2, $0x2;
	s2 =	sadd.s32 $0x200, s2  }
.Ltmp13:
0xb8: {  	_ = 	snop;
	(pc) =	sbr.rel .LBB2_17-.Ltmp13, $1  }
0xb9: {  	_ =	sdelay $0x3  }
.LBB2_19:
0xba: {  	_ =	sfence.sel $0x180000  }
0xbb: {  	[bflag:$0x0] =	sbarrier.arrive $0xFFFF  }
0xbc: {  	_ =	strace $0x90000047  }
0xbd: {  	s0 =	stileid.u32;
	[bflag:$0x2] =	sbarrier.arrive $0xFFFF  }
0xbe: {  	p0 =	sne.s32 s0, $0x0;
	s0 =	rddreg [dreg:$0x4]  }
0xbf: {  	s0 =	sadd.s32 @!p0 $0x100000, s0  }
0xc0: {  	[sflag:s0] =	ssyncadd.tile.s32 @!p0 $0x1;
	_ =	shalt  }
.Lfunc_end2:
_tile_overlayer_lowered:
.L_overlay_start_2:
0xc1: {  	(tag) =	ssettag $0x2  }
0xc2: {  	s0 =	rddreg [dreg:$0x0];
	s2 =	stileid.u32  }
0xc3: {  	s1 =	rddreg [dreg:$0x1];
	p0 =	sne.s32 s2, $0x0  }
0xc4: {  	s3 =	rddreg [dreg:$0x2];
	[bflag:$0x3] =	sbarrier.arrive $0xFFFF;
	s2 =	simm.s32 @!p0 $0x1C0D  }
0xc5: {  	[timem:s3], [sflag:s2] =	dma.local @!p0 [hbm:s0], s1  }
0xc6: {  	s0 =	simm.s32 @!p0 $0xD  }
0xc7: {  	_ =	swait.ge @!p0 [sflag:s0], s1  }
0xc8: {  	s1 =	ssub.s32 @!p0 $0x0, s1;
	[sflag:s0] =	ssyncset.done @!p0 $0x0  }
0xc9: {  	[sflag:s0] =	ssyncadd.s32 @!p0 s1  }
0xca: {  	[bflag:$0x3] =	sbarrier.arrive $0xFFFF  }
0xcb: {  	_ =	shalt  }

</sc_bundles>
